<compile_context>
chip_gen: v7x
topology: tpu7x:2x2x1
jax: 0.10.2.dev20260603
libtpu: 0.0.44.dev20260713+nightly
codegen_flags: <defaults>
</compile_context>

<pallas_src>
import functools

import jax
import jax.numpy as jnp
from jax import lax
from jax.experimental import pallas as pl
from jax.experimental.pallas import tpu as pltpu
from jax.experimental.pallas import tpu_sc as plsc

_N = 320000
_D = 128
_S = 10000
_B = 128
_NC = 2
_NS = 16
_NW = _NC * _NS
_TT = 2048
_NT_TC = 64
_NTC = _NT_TC * _TT
_NB_SC = (_N - _NTC) // _B
_B_PER_W = 47
_NRING = 3
_WIN = 128
_S_PAD = 10128
_ROWS_PER_TILE = 624
_TAIL_ROWS = _S - _NS * _ROWS_PER_TILE


def _sc_segment_sum(features, sids2d, zrows):
    mesh = plsc.VectorSubcoreMesh(core_axis_name="c", subcore_axis_name="s")

    @functools.partial(
        pl.kernel,
        out_type=jax.ShapeDtypeStruct((_NC, _S, _D), jnp.float32),
        mesh=mesh,
        scratch_types=[
            pltpu.VMEM_SHARED((_S, _D), jnp.float32),
            pltpu.VMEM((_NRING, _B, _D), jnp.float32),
            pltpu.VMEM((_NRING, 1, _B), jnp.int32),
            pltpu.SemaphoreType.DMA((_NRING,)),
            pltpu.SemaphoreType.DMA((_NRING,)),
        ],
    )
    def seg_kernel(feat_hbm, idx_hbm, zero_hbm, out_hbm, acc_sh, fbuf, ibuf,
                   lsem, ssem):
        c = lax.axis_index("c")
        s = lax.axis_index("s")
        wid = c * _NS + s
        cnt = jnp.clip(_NB_SC - wid * _B_PER_W, 0, _B_PER_W)

        def _load(t, slot):
            g = wid * _B_PER_W + t
            pltpu.async_copy(feat_hbm.at[pl.ds(_NTC + g * _B, _B)],
                             fbuf.at[slot], lsem.at[slot])
            pltpu.async_copy(idx_hbm.at[g], ibuf.at[slot, 0], lsem.at[slot])

        def _wait_load(slot):
            pltpu.make_async_copy(feat_hbm.at[pl.ds(0, _B)],
                                  fbuf.at[slot], lsem.at[slot]).wait()
            pltpu.make_async_copy(idx_hbm.at[0], ibuf.at[slot, 0],
                                  lsem.at[slot]).wait()

        def _scatter(slot):
            pltpu.async_copy(fbuf.at[slot], acc_sh.at[ibuf.at[slot, 0]],
                             ssem.at[slot], add=True)

        def _wait_scatter(slot):
            pltpu.make_async_copy(fbuf.at[slot],
                                  acc_sh.at[ibuf.at[slot, 0]],
                                  ssem.at[slot]).wait()

        @pl.when(0 < cnt)
        def _():
            _load(0, 0)

        @pl.when(1 < cnt)
        def _():
            _load(1, 1)

        row0 = s * _ROWS_PER_TILE
        pltpu.sync_copy(zero_hbm.at[pl.ds(row0, _ROWS_PER_TILE)],
                        acc_sh.at[pl.ds(row0, _ROWS_PER_TILE)])

        @pl.when(s == _NS - 1)
        def _zero_tail():
            pltpu.sync_copy(
                zero_hbm.at[pl.ds(_NS * _ROWS_PER_TILE, _TAIL_ROWS)],
                acc_sh.at[pl.ds(_NS * _ROWS_PER_TILE, _TAIL_ROWS)])

        plsc.subcore_barrier()

        def _batch(t, slot):
            @pl.when(t < cnt)
            def _():
                _wait_load(slot)
                _scatter(slot)

            nslot = (slot + 2) % _NRING

            @pl.when((t >= 1) & (t - 1 < cnt))
            def _():
                _wait_scatter(nslot)

            @pl.when(t + 2 < cnt)
            def _():
                _load(t + 2, nslot)

        def _step(i, _):
            t = 3 * i
            _batch(t, 0)
            _batch(t + 1, 1)
            _batch(t + 2, 2)
            return 0

        lax.fori_loop(0, 17, _step, 0)
        plsc.subcore_barrier()

        pltpu.sync_copy(acc_sh.at[pl.ds(row0, _ROWS_PER_TILE)],
                        out_hbm.at[c, pl.ds(row0, _ROWS_PER_TILE)])

        @pl.when(s == _NS - 1)
        def _copy_tail():
            pltpu.sync_copy(acc_sh.at[pl.ds(_NS * _ROWS_PER_TILE, _TAIL_ROWS)],
                            out_hbm.at[c, pl.ds(_NS * _ROWS_PER_TILE,
                                                _TAIL_ROWS)])

    return seg_kernel(features, sids2d, zrows)


def _tc_seg_body(sid_ref, x_ref, o_ref):
    i = pl.program_id(0)

    @pl.when(i == 0)
    def _init():
        o_ref[...] = jnp.zeros_like(o_ref)

    sids = sid_ref[0, 0, :]
    x = x_ref[...]
    base = (sids[0] // 8) * 8
    nwin = (sids[_TT - 1] - base) // _WIN + 1

    def _window(j, _):
        w0 = pl.multiple_of(base + j * _WIN, 8)
        seg = w0 + lax.broadcasted_iota(jnp.int32, (_WIN, _TT), 0)
        m = (seg == sids[None, :]).astype(jnp.float32)
        o_ref[pl.ds(w0, _WIN), :] += jnp.dot(
            m, x, preferred_element_type=jnp.float32)
        return 0

    lax.fori_loop(0, nwin, _window, 0)


_tc_segsum = pl.pallas_call(
    _tc_seg_body,
    grid=(_NT_TC,),
    in_specs=[
        pl.BlockSpec((1, 1, _TT), lambda i: (i, 0, 0)),
        pl.BlockSpec((_TT, _D), lambda i: (i, 0)),
    ],
    out_specs=pl.BlockSpec((_S_PAD, _D), lambda i: (0, 0)),
    out_shape=jax.ShapeDtypeStruct((_S_PAD, _D), jnp.float32),
)


def _mm_body(p_ref, ptc_ref, w_ref, o_ref):
    o_ref[...] = jnp.dot(p_ref[0] + p_ref[1] + ptc_ref[...], w_ref[...],
                         preferred_element_type=jnp.float32)


_mm = pl.pallas_call(
    _mm_body,
    grid=(10,),
    in_specs=[
        pl.BlockSpec((_NC, _S // 10, _D), lambda i: (0, i, 0)),
        pl.BlockSpec((_S // 10, _D), lambda i: (i, 0)),
        pl.BlockSpec((_D, _D), lambda i: (0, 0)),
    ],
    out_specs=pl.BlockSpec((_S // 10, _D), lambda i: (i, 0)),
    out_shape=jax.ShapeDtypeStruct((_S, _D), jnp.float32),
)


def kernel(features, structural_indices, n_structures, W):
    del n_structures
    sids = structural_indices.astype(jnp.int32)
    sids2d = sids[_NTC:].reshape(_NB_SC, _B)
    sids_tc = sids[:_NTC].reshape(_NT_TC, 1, _TT)
    zrows = jnp.zeros((_S, _D), jnp.float32)
    partials = _sc_segment_sum(features, sids2d, zrows)
    partial_tc = _tc_segsum(sids_tc, features)
    return _mm(partials, partial_tc, W)

# --- scband reference (transcript-rebuilt; emitter-appended) ---
"""Pipeline reference for scband-atomistic-77189152243955 (READ-ONLY COPY).

The authoritative reference and input builder live on the scoring server;
editing this copy changes nothing except your own understanding.
"""

import jax, jax.numpy as jnp
import numpy as np

N = 320000
D = 128
S = 10000

def setup_inputs(seed: int = 0) -> dict:
    key = jax.random.key(seed)
    k1, k2, k3 = jax.random.split(key, 3)
    features = jax.random.normal(k1, (N, D), dtype=jnp.float32)
    structural_indices = jnp.sort(jax.random.randint(k2, (N,), 0, S).astype(jnp.int64))
    # learned parameter of the per-atom model (Atomistic with a single linear model)
    W = jax.random.normal(k3, (D, D), dtype=jnp.float32) * 0.02
    return {"features": features, "structural_indices": structural_indices, "n_structures": S, "W": W}

def reference(features, structural_indices, n_structures, W):
    # Atomistic.forward (non central-specific path):
    #   per-atom model applied to features, then Accumulator index_add_ over structural_indices
    h = features @ W  # self.model(features)
    # Accumulator: result.index_add_(0, structural_indices, h)
    n_structures = jnp.asarray(n_structures)
    sids = structural_indices + (n_structures - n_structures).astype(structural_indices.dtype)
    out = jax.ops.segment_sum(h, sids, num_segments=S)
    return out

if __name__ == "__main__":
    import jax
    _d = setup_inputs()
    print(jax.jit(kernel)(*tuple(_d.values())))

</pallas_src>

<mosaic_0001>
#map = affine_map<(d0, d1) -> (0, 0)>
#map1 = affine_map<(d0, d1) -> (0, 0, 0)>
module attributes {stable_mosaic.version = 14 : i64} {
  func.func @seg_kernel(%arg0: i32, %arg1: i32, %arg2: memref<320000x128xf32, #tpu.memory_space<hbm>>, %arg3: memref<1476x128xi32, #tpu.memory_space<hbm>>, %arg4: memref<10000x128xf32, #tpu.memory_space<hbm>>, %arg5: memref<2x10000x128xf32, #tpu.memory_space<hbm>>, %arg6: memref<10000x128xf32, #tpu.memory_space<vmem_shared>>, %arg7: memref<3x128x128xf32, #tpu.memory_space<vmem>>, %arg8: memref<3x1x128xi32, #tpu.memory_space<vmem>>, %arg9: memref<3x!tpu.dma_semaphore, #tpu.memory_space<semaphore_mem>>, %arg10: memref<3x!tpu.dma_semaphore, #tpu.memory_space<semaphore_mem>>) attributes {dimension_semantics = [#tpu.dimension_semantics<core_parallel>, #tpu.dimension_semantics<subcore_parallel>], iteration_bounds = array<i64: 2, 16>, scalar_prefetch = 0 : i64, scratch_operands = 5 : i64, tpu.core_type = #tpu.core_type<sc_vector_subcore>, window_params = [{transform_indices = #map}, {transform_indices = #map}, {transform_indices = #map}, {transform_indices = #map1}]} {
    %mul3A = arith.constant 16 : i32
    %mul3A_0 = arith.muli %arg0, %mul3A : i32
    %add3A = arith.addi %mul3A_0, %arg1 : i32
    %mul3A_1 = arith.constant 47 : i32
    %mul3A_2 = arith.muli %add3A, %mul3A_1 : i32
    %sub3A = arith.constant 1476 : i32
    %sub3A_3 = arith.subi %sub3A, %mul3A_2 : i32
    %jit3A = arith.constant 0 : i32
    %jit3A_4 = arith.constant 47 : i32
    %max3A = arith.maxsi %jit3A, %sub3A_3 : i32
    %min3A = arith.minsi %jit3A_4, %max3A : i32
    %gt3A = arith.constant 0 : i32
    %gt3A_5 = arith.cmpi sgt, %min3A, %gt3A : i32
    %convert_element_type3A = arith.extui %gt3A_5 : i1 to i32
    %cond3A = arith.constant 0 : i32
    %cond3A_6 = arith.cmpi ne, %convert_element_type3A, %cond3A : i32
    scf.if %cond3A_6 {
      %mul3A_30 = arith.constant 47 : i32
      %mul3A_31 = arith.muli %add3A, %mul3A_30 : i32
      %add3A_32 = arith.constant 0 : i32
      %add3A_33 = arith.addi %mul3A_31, %add3A_32 : i32
      %mul3A_34 = arith.constant 128 : i32
      %mul3A_35 = arith.muli %add3A_33, %mul3A_34 : i32
      %add3A_36 = arith.constant 131072 : i32
      %add3A_37 = arith.addi %add3A_36, %mul3A_35 : i32
      %dma_start3A = arith.constant 0 : i32
      %dma_start3A_38 = arith.constant 0 : i32
      %dma_start3A_39 = arith.constant 0 : i32
      %dma_start3A_40 = arith.constant 0 : i32
      %dma_start3A_41 = tpu.memref_slice %arg7[%dma_start3A, %dma_start3A_39, %dma_start3A_40] : memref<3x128x128xf32, #tpu.memory_space<vmem>> -> memref<1x128x128xf32, #tpu.memory_space<vmem>>
      %dma_start3A_42 = tpu.memref_squeeze %dma_start3A_41 : memref<1x128x128xf32, #tpu.memory_space<vmem>> -> memref<128x128xf32, #tpu.memory_space<vmem>>
      %dma_start3A_43 = arith.constant 0 : i32
      %dma_start3A_44 = tpu.memref_slice %arg2[%add3A_37, %dma_start3A_43] : memref<320000x128xf32, #tpu.memory_space<hbm>> -> memref<128x128xf32, #tpu.memory_space<hbm>>
      %dma_start3A_45 = tpu.memref_slice %arg9[%dma_start3A_38] : memref<3x!tpu.dma_semaphore, #tpu.memory_space<semaphore_mem>> -> memref<1x!tpu.dma_semaphore, #tpu.memory_space<semaphore_mem>>
      %dma_start3A_46 = tpu.memref_squeeze %dma_start3A_45 : memref<1x!tpu.dma_semaphore, #tpu.memory_space<semaphore_mem>> -> memref<!tpu.dma_semaphore, #tpu.memory_space<semaphore_mem>>
      %dma_start3A_47 = arith.constant 0 : i32
      %dma_start3A_48 = arith.constant 0 : i32
      %dma_start3A_49 = tpu.memref_slice %arg7[%dma_start3A, %dma_start3A_47, %dma_start3A_48] : memref<3x128x128xf32, #tpu.memory_space<vmem>> -> memref<1x128x128xf32, #tpu.memory_space<vmem>>
      %dma_start3A_50 = tpu.memref_squeeze %dma_start3A_49 : memref<1x128x128xf32, #tpu.memory_space<vmem>> -> memref<128x128xf32, #tpu.memory_space<vmem>>
      %dma_start3A_51 = arith.constant 0 : i32
      %dma_start3A_52 = tpu.memref_slice %arg2[%add3A_37, %dma_start3A_51] : memref<320000x128xf32, #tpu.memory_space<hbm>> -> memref<128x128xf32, #tpu.memory_space<hbm>>
      tpu.enqueue_dma source(%dma_start3A_52 : memref<128x128xf32, #tpu.memory_space<hbm>>) target(%dma_start3A_50 : memref<128x128xf32, #tpu.memory_space<vmem>>) target_semaphore(%dma_start3A_46 : memref<!tpu.dma_semaphore, #tpu.memory_space<semaphore_mem>>)
      %dma_start3A_53 = arith.constant 0 : i32
      %dma_start3A_54 = arith.constant 0 : i32
      %dma_start3A_55 = arith.constant 0 : i32
      %dma_start3A_56 = arith.constant 0 : i32
      %dma_start3A_57 = tpu.memref_slice %arg8[%dma_start3A_53, %dma_start3A_54, %dma_start3A_56] : memref<3x1x128xi32, #tpu.memory_space<vmem>> -> memref<1x1x128xi32, #tpu.memory_space<vmem>>
      %dma_start3A_58 = tpu.memref_squeeze %dma_start3A_57 : memref<1x1x128xi32, #tpu.memory_space<vmem>> -> memref<128xi32, #tpu.memory_space<vmem>>
      %dma_start3A_59 = arith.constant 0 : i32
      %dma_start3A_60 = tpu.memref_slice %arg3[%add3A_33, %dma_start3A_59] : memref<1476x128xi32, #tpu.memory_space<hbm>> -> memref<1x128xi32, #tpu.memory_space<hbm>>
      %dma_start3A_61 = tpu.memref_squeeze %dma_start3A_60 : memref<1x128xi32, #tpu.memory_space<hbm>> -> memref<128xi32, #tpu.memory_space<hbm>>
      %dma_start3A_62 = tpu.memref_slice %arg9[%dma_start3A_55] : memref<3x!tpu.dma_semaphore, #tpu.memory_space<semaphore_mem>> -> memref<1x!tpu.dma_semaphore, #tpu.memory_space<semaphore_mem>>
      %dma_start3A_63 = tpu.memref_squeeze %dma_start3A_62 : memref<1x!tpu.dma_semaphore, #tpu.memory_space<semaphore_mem>> -> memref<!tpu.dma_semaphore, #tpu.memory_space<semaphore_mem>>
      %dma_start3A_64 = arith.constant 0 : i32
      %dma_start3A_65 = tpu.memref_slice %arg8[%dma_start3A_53, %dma_start3A_54, %dma_start3A_64] : memref<3x1x128xi32, #tpu.memory_space<vmem>> -> memref<1x1x128xi32, #tpu.memory_space<vmem>>
      %dma_start3A_66 = tpu.memref_squeeze %dma_start3A_65 : memref<1x1x128xi32, #tpu.memory_space<vmem>> -> memref<128xi32, #tpu.memory_space<vmem>>
      %dma_start3A_67 = arith.constant 0 : i32
      %dma_start3A_68 = tpu.memref_slice %arg3[%add3A_33, %dma_start3A_67] : memref<1476x128xi32, #tpu.memory_space<hbm>> -> memref<1x128xi32, #tpu.memory_space<hbm>>
      %dma_start3A_69 = tpu.memref_squeeze %dma_start3A_68 : memref<1x128xi32, #tpu.memory_space<hbm>> -> memref<128xi32, #tpu.memory_space<hbm>>
      tpu.enqueue_dma source(%dma_start3A_69 : memref<128xi32, #tpu.memory_space<hbm>>) target(%dma_start3A_66 : memref<128xi32, #tpu.memory_space<vmem>>) target_semaphore(%dma_start3A_63 : memref<!tpu.dma_semaphore, #tpu.memory_space<semaphore_mem>>)
    } else {
    }
    %gt3A_7 = arith.constant 1 : i32
    %gt3A_8 = arith.cmpi sgt, %min3A, %gt3A_7 : i32
    %convert_element_type3A_9 = arith.extui %gt3A_8 : i1 to i32
    %cond3A_10 = arith.constant 0 : i32
    %cond3A_11 = arith.cmpi ne, %convert_element_type3A_9, %cond3A_10 : i32
    scf.if %cond3A_11 {
      %mul3A_30 = arith.constant 47 : i32
      %mul3A_31 = arith.muli %add3A, %mul3A_30 : i32
      %add3A_32 = arith.constant 1 : i32
      %add3A_33 = arith.addi %mul3A_31, %add3A_32 : i32
      %mul3A_34 = arith.constant 128 : i32
      %mul3A_35 = arith.muli %add3A_33, %mul3A_34 : i32
      %add3A_36 = arith.constant 131072 : i32
      %add3A_37 = arith.addi %add3A_36, %mul3A_35 : i32
      %dma_start3A = arith.constant 1 : i32
      %dma_start3A_38 = arith.constant 1 : i32
      %dma_start3A_39 = arith.constant 0 : i32
      %dma_start3A_40 = arith.constant 0 : i32
      %dma_start3A_41 = tpu.memref_slice %arg7[%dma_start3A, %dma_start3A_39, %dma_start3A_40] : memref<3x128x128xf32, #tpu.memory_space<vmem>> -> memref<1x128x128xf32, #tpu.memory_space<vmem>>
      %dma_start3A_42 = tpu.memref_squeeze %dma_start3A_41 : memref<1x128x128xf32, #tpu.memory_space<vmem>> -> memref<128x128xf32, #tpu.memory_space<vmem>>
      %dma_start3A_43 = arith.constant 0 : i32
      %dma_start3A_44 = tpu.memref_slice %arg2[%add3A_37, %dma_start3A_43] : memref<320000x128xf32, #tpu.memory_space<hbm>> -> memref<128x128xf32, #tpu.memory_space<hbm>>
      %dma_start3A_45 = tpu.memref_slice %arg9[%dma_start3A_38] : memref<3x!tpu.dma_semaphore, #tpu.memory_space<semaphore_mem>> -> memref<1x!tpu.dma_semaphore, #tpu.memory_space<semaphore_mem>>
      %dma_start3A_46 = tpu.memref_squeeze %dma_start3A_45 : memref<1x!tpu.dma_semaphore, #tpu.memory_space<semaphore_mem>> -> memref<!tpu.dma_semaphore, #tpu.memory_space<semaphore_mem>>
      %dma_start3A_47 = arith.constant 0 : i32
      %dma_start3A_48 = arith.constant 0 : i32
      %dma_start3A_49 = tpu.memref_slice %arg7[%dma_start3A, %dma_start3A_47, %dma_start3A_48] : memref<3x128x128xf32, #tpu.memory_space<vmem>> -> memref<1x128x128xf32, #tpu.memory_space<vmem>>
      %dma_start3A_50 = tpu.memref_squeeze %dma_start3A_49 : memref<1x128x128xf32, #tpu.memory_space<vmem>> -> memref<128x128xf32, #tpu.memory_space<vmem>>
      %dma_start3A_51 = arith.constant 0 : i32
      %dma_start3A_52 = tpu.memref_slice %arg2[%add3A_37, %dma_start3A_51] : memref<320000x128xf32, #tpu.memory_space<hbm>> -> memref<128x128xf32, #tpu.memory_space<hbm>>
      tpu.enqueue_dma source(%dma_start3A_52 : memref<128x128xf32, #tpu.memory_space<hbm>>) target(%dma_start3A_50 : memref<128x128xf32, #tpu.memory_space<vmem>>) target_semaphore(%dma_start3A_46 : memref<!tpu.dma_semaphore, #tpu.memory_space<semaphore_mem>>)
      %dma_start3A_53 = arith.constant 1 : i32
      %dma_start3A_54 = arith.constant 0 : i32
      %dma_start3A_55 = arith.constant 1 : i32
      %dma_start3A_56 = arith.constant 0 : i32
      %dma_start3A_57 = tpu.memref_slice %arg8[%dma_start3A_53, %dma_start3A_54, %dma_start3A_56] : memref<3x1x128xi32, #tpu.memory_space<vmem>> -> memref<1x1x128xi32, #tpu.memory_space<vmem>>
      %dma_start3A_58 = tpu.memref_squeeze %dma_start3A_57 : memref<1x1x128xi32, #tpu.memory_space<vmem>> -> memref<128xi32, #tpu.memory_space<vmem>>
      %dma_start3A_59 = arith.constant 0 : i32
      %dma_start3A_60 = tpu.memref_slice %arg3[%add3A_33, %dma_start3A_59] : memref<1476x128xi32, #tpu.memory_space<hbm>> -> memref<1x128xi32, #tpu.memory_space<hbm>>
      %dma_start3A_61 = tpu.memref_squeeze %dma_start3A_60 : memref<1x128xi32, #tpu.memory_space<hbm>> -> memref<128xi32, #tpu.memory_space<hbm>>
      %dma_start3A_62 = tpu.memref_slice %arg9[%dma_start3A_55] : memref<3x!tpu.dma_semaphore, #tpu.memory_space<semaphore_mem>> -> memref<1x!tpu.dma_semaphore, #tpu.memory_space<semaphore_mem>>
      %dma_start3A_63 = tpu.memref_squeeze %dma_start3A_62 : memref<1x!tpu.dma_semaphore, #tpu.memory_space<semaphore_mem>> -> memref<!tpu.dma_semaphore, #tpu.memory_space<semaphore_mem>>
      %dma_start3A_64 = arith.constant 0 : i32
      %dma_start3A_65 = tpu.memref_slice %arg8[%dma_start3A_53, %dma_start3A_54, %dma_start3A_64] : memref<3x1x128xi32, #tpu.memory_space<vmem>> -> memref<1x1x128xi32, #tpu.memory_space<vmem>>
      %dma_start3A_66 = tpu.memref_squeeze %dma_start3A_65 : memref<1x1x128xi32, #tpu.memory_space<vmem>> -> memref<128xi32, #tpu.memory_space<vmem>>
      %dma_start3A_67 = arith.constant 0 : i32
      %dma_start3A_68 = tpu.memref_slice %arg3[%add3A_33, %dma_start3A_67] : memref<1476x128xi32, #tpu.memory_space<hbm>> -> memref<1x128xi32, #tpu.memory_space<hbm>>
      %dma_start3A_69 = tpu.memref_squeeze %dma_start3A_68 : memref<1x128xi32, #tpu.memory_space<hbm>> -> memref<128xi32, #tpu.memory_space<hbm>>
      tpu.enqueue_dma source(%dma_start3A_69 : memref<128xi32, #tpu.memory_space<hbm>>) target(%dma_start3A_66 : memref<128xi32, #tpu.memory_space<vmem>>) target_semaphore(%dma_start3A_63 : memref<!tpu.dma_semaphore, #tpu.memory_space<semaphore_mem>>)
    } else {
    }
    %mul3A_12 = arith.constant 624 : i32
    %mul3A_13 = arith.muli %arg1, %mul3A_12 : i32
    "tpu.region"() ({
      %run_scoped3A = tpu.sem_alloc : memref<!tpu.dma_semaphore, #tpu.memory_space<semaphore_mem>>
      %dma_start3A = arith.constant 0 : i32
      %dma_start3A_30 = tpu.memref_slice %arg6[%mul3A_13, %dma_start3A] : memref<10000x128xf32, #tpu.memory_space<vmem_shared>> -> memref<624x128xf32, #tpu.memory_space<vmem_shared>>
      %dma_start3A_31 = arith.constant 0 : i32
      %dma_start3A_32 = tpu.memref_slice %arg4[%mul3A_13, %dma_start3A_31] : memref<10000x128xf32, #tpu.memory_space<hbm>> -> memref<624x128xf32, #tpu.memory_space<hbm>>
      tpu.enqueue_dma source(%dma_start3A_32 : memref<624x128xf32, #tpu.memory_space<hbm>>) target(%dma_start3A_30 : memref<624x128xf32, #tpu.memory_space<vmem_shared>>) target_semaphore(%run_scoped3A : memref<!tpu.dma_semaphore, #tpu.memory_space<semaphore_mem>>)
      %dma_wait3A = arith.constant 0 : i32
      %dma_wait3A_33 = tpu.memref_slice %arg6[%mul3A_13, %dma_wait3A] : memref<10000x128xf32, #tpu.memory_space<vmem_shared>> -> memref<624x128xf32, #tpu.memory_space<vmem_shared>>
      %dma_wait3A_34 = arith.constant 0 : i32
      %dma_wait3A_35 = tpu.memref_slice %arg4[%mul3A_13, %dma_wait3A_34] : memref<10000x128xf32, #tpu.memory_space<hbm>> -> memref<624x128xf32, #tpu.memory_space<hbm>>
      tpu.wait_dma2 semaphore(%run_scoped3A : memref<!tpu.dma_semaphore, #tpu.memory_space<semaphore_mem>>) src(%dma_wait3A_35 : memref<624x128xf32, #tpu.memory_space<hbm>>) dst(%dma_wait3A_33 : memref<624x128xf32, #tpu.memory_space<vmem_shared>>)
      tpu.yield
    }) : () -> ()
    %eq3A = arith.constant 15 : i32
    %eq3A_14 = arith.cmpi eq, %arg1, %eq3A : i32
    %convert_element_type3A_15 = arith.extui %eq3A_14 : i1 to i32
    %cond3A_16 = arith.constant 0 : i32
    %cond3A_17 = arith.cmpi ne, %convert_element_type3A_15, %cond3A_16 : i32
    scf.if %cond3A_17 {
      "tpu.region"() ({
        %run_scoped3A = tpu.sem_alloc : memref<!tpu.dma_semaphore, #tpu.memory_space<semaphore_mem>>
        %dma_start3A = arith.constant 9984 : i32
        %dma_start3A_30 = arith.constant 0 : i32
        %dma_start3A_31 = tpu.memref_slice %arg6[%dma_start3A, %dma_start3A_30] : memref<10000x128xf32, #tpu.memory_space<vmem_shared>> -> memref<16x128xf32, #tpu.memory_space<vmem_shared>>
        %dma_start3A_32 = arith.constant 9984 : i32
        %dma_start3A_33 = arith.constant 0 : i32
        %dma_start3A_34 = tpu.memref_slice %arg4[%dma_start3A_32, %dma_start3A_33] : memref<10000x128xf32, #tpu.memory_space<hbm>> -> memref<16x128xf32, #tpu.memory_space<hbm>>
        tpu.enqueue_dma source(%dma_start3A_34 : memref<16x128xf32, #tpu.memory_space<hbm>>) target(%dma_start3A_31 : memref<16x128xf32, #tpu.memory_space<vmem_shared>>) target_semaphore(%run_scoped3A : memref<!tpu.dma_semaphore, #tpu.memory_space<semaphore_mem>>)
        %dma_wait3A = arith.constant 9984 : i32
        %dma_wait3A_35 = arith.constant 0 : i32
        %dma_wait3A_36 = tpu.memref_slice %arg6[%dma_wait3A, %dma_wait3A_35] : memref<10000x128xf32, #tpu.memory_space<vmem_shared>> -> memref<16x128xf32, #tpu.memory_space<vmem_shared>>
        %dma_wait3A_37 = arith.constant 9984 : i32
        %dma_wait3A_38 = arith.constant 0 : i32
        %dma_wait3A_39 = tpu.memref_slice %arg4[%dma_wait3A_37, %dma_wait3A_38] : memref<10000x128xf32, #tpu.memory_space<hbm>> -> memref<16x128xf32, #tpu.memory_space<hbm>>
        tpu.wait_dma2 semaphore(%run_scoped3A : memref<!tpu.dma_semaphore, #tpu.memory_space<semaphore_mem>>) src(%dma_wait3A_39 : memref<16x128xf32, #tpu.memory_space<hbm>>) dst(%dma_wait3A_36 : memref<16x128xf32, #tpu.memory_space<vmem_shared>>)
        tpu.yield
      }) : () -> ()
    } else {
    }
    %barrier3A = arith.constant 0 : index
    tpu.barrier barrier_id(%barrier3A)
    %scan3A = arith.constant 0 : i32
    %scan3A_18 = arith.constant 0 : i32
    %scan3A_19 = arith.constant 17 : i32
    %scan3A_20 = arith.addi %scan3A_18, %scan3A_19 : i32
    %scan3A_21 = arith.constant 1 : i32
    %scan3A_22 = scf.for %scan3A_30 = %scan3A_18 to %scan3A_20 step %scan3A_21 iter_args(%scan3A_31 = %scan3A) -> (i32)  : i32 {
      %mul3A_32 = arith.constant 3 : i32
      %mul3A_33 = arith.muli %mul3A_32, %scan3A_30 : i32
      %lt3A = arith.cmpi slt, %mul3A_33, %min3A : i32
      %convert_element_type3A_34 = arith.extui %lt3A : i1 to i32
      %cond3A_35 = arith.constant 0 : i32
      %cond3A_36 = arith.cmpi ne, %convert_element_type3A_34, %cond3A_35 : i32
      scf.if %cond3A_36 {
        %dma_wait3A = arith.constant 0 : i32
        %dma_wait3A_93 = arith.constant 0 : i32
        %dma_wait3A_94 = arith.constant 0 : i32
        %dma_wait3A_95 = arith.constant 0 : i32
        %dma_wait3A_96 = tpu.memref_slice %arg7[%dma_wait3A, %dma_wait3A_94, %dma_wait3A_95] : memref<3x128x128xf32, #tpu.memory_space<vmem>> -> memref<1x128x128xf32, #tpu.memory_space<vmem>>
        %dma_wait3A_97 = tpu.memref_squeeze %dma_wait3A_96 : memref<1x128x128xf32, #tpu.memory_space<vmem>> -> memref<128x128xf32, #tpu.memory_space<vmem>>
        %dma_wait3A_98 = arith.constant 0 : i32
        %dma_wait3A_99 = arith.constant 0 : i32
        %dma_wait3A_100 = tpu.memref_slice %arg2[%dma_wait3A_98, %dma_wait3A_99] : memref<320000x128xf32, #tpu.memory_space<hbm>> -> memref<128x128xf32, #tpu.memory_space<hbm>>
        %dma_wait3A_101 = tpu.memref_slice %arg9[%dma_wait3A_93] : memref<3x!tpu.dma_semaphore, #tpu.memory_space<semaphore_mem>> -> memref<1x!tpu.dma_semaphore, #tpu.memory_space<semaphore_mem>>
        %dma_wait3A_102 = tpu.memref_squeeze %dma_wait3A_101 : memref<1x!tpu.dma_semaphore, #tpu.memory_space<semaphore_mem>> -> memref<!tpu.dma_semaphore, #tpu.memory_space<semaphore_mem>>
        %dma_wait3A_103 = arith.constant 0 : i32
        %dma_wait3A_104 = arith.constant 0 : i32
        %dma_wait3A_105 = tpu.memref_slice %arg7[%dma_wait3A, %dma_wait3A_103, %dma_wait3A_104] : memref<3x128x128xf32, #tpu.memory_space<vmem>> -> memref<1x128x128xf32, #tpu.memory_space<vmem>>
        %dma_wait3A_106 = tpu.memref_squeeze %dma_wait3A_105 : memref<1x128x128xf32, #tpu.memory_space<vmem>> -> memref<128x128xf32, #tpu.memory_space<vmem>>
        %dma_wait3A_107 = arith.constant 0 : i32
        %dma_wait3A_108 = arith.constant 0 : i32
        %dma_wait3A_109 = tpu.memref_slice %arg2[%dma_wait3A_107, %dma_wait3A_108] : memref<320000x128xf32, #tpu.memory_space<hbm>> -> memref<128x128xf32, #tpu.memory_space<hbm>>
        tpu.wait_dma2 semaphore(%dma_wait3A_102 : memref<!tpu.dma_semaphore, #tpu.memory_space<semaphore_mem>>) src(%dma_wait3A_109 : memref<128x128xf32, #tpu.memory_space<hbm>>) dst(%dma_wait3A_106 : memref<128x128xf32, #tpu.memory_space<vmem>>)
        %dma_wait3A_110 = arith.constant 0 : i32
        %dma_wait3A_111 = arith.constant 0 : i32
        %dma_wait3A_112 = arith.constant 0 : i32
        %dma_wait3A_113 = arith.constant 0 : i32
        %dma_wait3A_114 = arith.constant 0 : i32
        %dma_wait3A_115 = tpu.memref_slice %arg8[%dma_wait3A_111, %dma_wait3A_112, %dma_wait3A_114] : memref<3x1x128xi32, #tpu.memory_space<vmem>> -> memref<1x1x128xi32, #tpu.memory_space<vmem>>
        %dma_wait3A_116 = tpu.memref_squeeze %dma_wait3A_115 : memref<1x1x128xi32, #tpu.memory_space<vmem>> -> memref<128xi32, #tpu.memory_space<vmem>>
        %dma_wait3A_117 = arith.constant 0 : i32
        %dma_wait3A_118 = tpu.memref_slice %arg3[%dma_wait3A_110, %dma_wait3A_117] : memref<1476x128xi32, #tpu.memory_space<hbm>> -> memref<1x128xi32, #tpu.memory_space<hbm>>
        %dma_wait3A_119 = tpu.memref_squeeze %dma_wait3A_118 : memref<1x128xi32, #tpu.memory_space<hbm>> -> memref<128xi32, #tpu.memory_space<hbm>>
        %dma_wait3A_120 = tpu.memref_slice %arg9[%dma_wait3A_113] : memref<3x!tpu.dma_semaphore, #tpu.memory_space<semaphore_mem>> -> memref<1x!tpu.dma_semaphore, #tpu.memory_space<semaphore_mem>>
        %dma_wait3A_121 = tpu.memref_squeeze %dma_wait3A_120 : memref<1x!tpu.dma_semaphore, #tpu.memory_space<semaphore_mem>> -> memref<!tpu.dma_semaphore, #tpu.memory_space<semaphore_mem>>
        %dma_wait3A_122 = arith.constant 0 : i32
        %dma_wait3A_123 = tpu.memref_slice %arg8[%dma_wait3A_111, %dma_wait3A_112, %dma_wait3A_122] : memref<3x1x128xi32, #tpu.memory_space<vmem>> -> memref<1x1x128xi32, #tpu.memory_space<vmem>>
        %dma_wait3A_124 = tpu.memref_squeeze %dma_wait3A_123 : memref<1x1x128xi32, #tpu.memory_space<vmem>> -> memref<128xi32, #tpu.memory_space<vmem>>
        %dma_wait3A_125 = arith.constant 0 : i32
        %dma_wait3A_126 = tpu.memref_slice %arg3[%dma_wait3A_110, %dma_wait3A_125] : memref<1476x128xi32, #tpu.memory_space<hbm>> -> memref<1x128xi32, #tpu.memory_space<hbm>>
        %dma_wait3A_127 = tpu.memref_squeeze %dma_wait3A_126 : memref<1x128xi32, #tpu.memory_space<hbm>> -> memref<128xi32, #tpu.memory_space<hbm>>
        tpu.wait_dma2 semaphore(%dma_wait3A_121 : memref<!tpu.dma_semaphore, #tpu.memory_space<semaphore_mem>>) src(%dma_wait3A_127 : memref<128xi32, #tpu.memory_space<hbm>>) dst(%dma_wait3A_124 : memref<128xi32, #tpu.memory_space<vmem>>)
        %dma_start3A = arith.constant 0 : i32
        %dma_start3A_128 = arith.constant 0 : i32
        %dma_start3A_129 = arith.constant 0 : i32
        %dma_start3A_130 = arith.constant 0 : i32
        %dma_start3A_131 = arith.constant 0 : i32
        %dma_start3A_132 = arith.constant 0 : i32
        %dma_start3A_133 = tpu.memref_slice %arg7[%dma_start3A, %dma_start3A_131, %dma_start3A_132] : memref<3x128x128xf32, #tpu.memory_space<vmem>> -> memref<1x128x128xf32, #tpu.memory_space<vmem>>
        %dma_start3A_134 = tpu.memref_squeeze %dma_start3A_133 : memref<1x128x128xf32, #tpu.memory_space<vmem>> -> memref<128x128xf32, #tpu.memory_space<vmem>>
        %dma_start3A_135 = arith.constant 0 : i32
        %dma_start3A_136 = tpu.memref_slice %arg8[%dma_start3A_128, %dma_start3A_129, %dma_start3A_135] : memref<3x1x128xi32, #tpu.memory_space<vmem>> -> memref<1x1x128xi32, #tpu.memory_space<vmem>>
        %dma_start3A_137 = tpu.memref_squeeze %dma_start3A_136 : memref<1x1x128xi32, #tpu.memory_space<vmem>> -> memref<128xi32, #tpu.memory_space<vmem>>
        %dma_start3A_138 = arith.constant 0 : i32
        %dma_start3A_139 = arith.constant 0 : i32
        %dma_start3A_140 = tpu.memref_slice %arg6[%dma_start3A_138, %dma_start3A_139] : memref<10000x128xf32, #tpu.memory_space<vmem_shared>> -> memref<10000x128xf32, #tpu.memory_space<vmem_shared>>
        %dma_start3A_141 = tpu.memref_slice %arg10[%dma_start3A_130] : memref<3x!tpu.dma_semaphore, #tpu.memory_space<semaphore_mem>> -> memref<1x!tpu.dma_semaphore, #tpu.memory_space<semaphore_mem>>
        %dma_start3A_142 = tpu.memref_squeeze %dma_start3A_141 : memref<1x!tpu.dma_semaphore, #tpu.memory_space<semaphore_mem>> -> memref<!tpu.dma_semaphore, #tpu.memory_space<semaphore_mem>>
        tpu.enqueue_indirect_dma source(%dma_start3A_134 : memref<128x128xf32, #tpu.memory_space<vmem>>) target(%dma_start3A_140 : memref<10000x128xf32, #tpu.memory_space<vmem_shared>>) offsets(%dma_start3A_137 : memref<128xi32, #tpu.memory_space<vmem>>) semaphore(%dma_start3A_142 : memref<!tpu.dma_semaphore, #tpu.memory_space<semaphore_mem>>) {add = true}
      } else {
      }
      %ge3A = arith.constant 1 : i32
      %ge3A_37 = arith.cmpi sge, %mul3A_33, %ge3A : i32
      %sub3A_38 = arith.constant 1 : i32
      %sub3A_39 = arith.subi %mul3A_33, %sub3A_38 : i32
      %lt3A_40 = arith.cmpi slt, %sub3A_39, %min3A : i32
      %and3A = arith.andi %ge3A_37, %lt3A_40 : i1
      %convert_element_type3A_41 = arith.extui %and3A : i1 to i32
      %cond3A_42 = arith.constant 0 : i32
      %cond3A_43 = arith.cmpi ne, %convert_element_type3A_41, %cond3A_42 : i32
      scf.if %cond3A_43 {
        %dma_wait3A = arith.constant 2 : i32
        %dma_wait3A_93 = arith.constant 2 : i32
        %dma_wait3A_94 = arith.constant 0 : i32
        %dma_wait3A_95 = arith.constant 2 : i32
        %dma_wait3A_96 = arith.constant 0 : i32
        %dma_wait3A_97 = arith.constant 0 : i32
        %dma_wait3A_98 = tpu.memref_slice %arg7[%dma_wait3A, %dma_wait3A_96, %dma_wait3A_97] : memref<3x128x128xf32, #tpu.memory_space<vmem>> -> memref<1x128x128xf32, #tpu.memory_space<vmem>>
        %dma_wait3A_99 = tpu.memref_squeeze %dma_wait3A_98 : memref<1x128x128xf32, #tpu.memory_space<vmem>> -> memref<128x128xf32, #tpu.memory_space<vmem>>
        %dma_wait3A_100 = arith.constant 0 : i32
        %dma_wait3A_101 = tpu.memref_slice %arg8[%dma_wait3A_93, %dma_wait3A_94, %dma_wait3A_100] : memref<3x1x128xi32, #tpu.memory_space<vmem>> -> memref<1x1x128xi32, #tpu.memory_space<vmem>>
        %dma_wait3A_102 = tpu.memref_squeeze %dma_wait3A_101 : memref<1x1x128xi32, #tpu.memory_space<vmem>> -> memref<128xi32, #tpu.memory_space<vmem>>
        %dma_wait3A_103 = arith.constant 0 : i32
        %dma_wait3A_104 = arith.constant 0 : i32
        %dma_wait3A_105 = tpu.memref_slice %arg6[%dma_wait3A_103, %dma_wait3A_104] : memref<10000x128xf32, #tpu.memory_space<vmem_shared>> -> memref<10000x128xf32, #tpu.memory_space<vmem_shared>>
        %dma_wait3A_106 = tpu.memref_slice %arg10[%dma_wait3A_95] : memref<3x!tpu.dma_semaphore, #tpu.memory_space<semaphore_mem>> -> memref<1x!tpu.dma_semaphore, #tpu.memory_space<semaphore_mem>>
        %dma_wait3A_107 = tpu.memref_squeeze %dma_wait3A_106 : memref<1x!tpu.dma_semaphore, #tpu.memory_space<semaphore_mem>> -> memref<!tpu.dma_semaphore, #tpu.memory_space<semaphore_mem>>
        tpu.wait_indirect_dma semaphore(%dma_wait3A_107 : memref<!tpu.dma_semaphore, #tpu.memory_space<semaphore_mem>>) src(%dma_wait3A_99 : memref<128x128xf32, #tpu.memory_space<vmem>>) dst(%dma_wait3A_105 : memref<10000x128xf32, #tpu.memory_space<vmem_shared>>)
      } else {
      }
      %add3A_44 = arith.constant 2 : i32
      %add3A_45 = arith.addi %mul3A_33, %add3A_44 : i32
      %lt3A_46 = arith.cmpi slt, %add3A_45, %min3A : i32
      %convert_element_type3A_47 = arith.extui %lt3A_46 : i1 to i32
      %cond3A_48 = arith.constant 0 : i32
      %cond3A_49 = arith.cmpi ne, %convert_element_type3A_47, %cond3A_48 : i32
      scf.if %cond3A_49 {
        %add3A_93 = arith.constant 2 : i32
        %add3A_94 = arith.addi %mul3A_33, %add3A_93 : i32
        %mul3A_95 = arith.constant 47 : i32
        %mul3A_96 = arith.muli %add3A, %mul3A_95 : i32
        %add3A_97 = arith.addi %mul3A_96, %add3A_94 : i32
        %mul3A_98 = arith.constant 128 : i32
        %mul3A_99 = arith.muli %add3A_97, %mul3A_98 : i32
        %add3A_100 = arith.constant 131072 : i32
        %add3A_101 = arith.addi %add3A_100, %mul3A_99 : i32
        %dma_start3A = arith.constant 2 : i32
        %dma_start3A_102 = arith.constant 2 : i32
        %dma_start3A_103 = arith.constant 0 : i32
        %dma_start3A_104 = arith.constant 0 : i32
        %dma_start3A_105 = tpu.memref_slice %arg7[%dma_start3A, %dma_start3A_103, %dma_start3A_104] : memref<3x128x128xf32, #tpu.memory_space<vmem>> -> memref<1x128x128xf32, #tpu.memory_space<vmem>>
        %dma_start3A_106 = tpu.memref_squeeze %dma_start3A_105 : memref<1x128x128xf32, #tpu.memory_space<vmem>> -> memref<128x128xf32, #tpu.memory_space<vmem>>
        %dma_start3A_107 = arith.constant 0 : i32
        %dma_start3A_108 = tpu.memref_slice %arg2[%add3A_101, %dma_start3A_107] : memref<320000x128xf32, #tpu.memory_space<hbm>> -> memref<128x128xf32, #tpu.memory_space<hbm>>
        %dma_start3A_109 = tpu.memref_slice %arg9[%dma_start3A_102] : memref<3x!tpu.dma_semaphore, #tpu.memory_space<semaphore_mem>> -> memref<1x!tpu.dma_semaphore, #tpu.memory_space<semaphore_mem>>
        %dma_start3A_110 = tpu.memref_squeeze %dma_start3A_109 : memref<1x!tpu.dma_semaphore, #tpu.memory_space<semaphore_mem>> -> memref<!tpu.dma_semaphore, #tpu.memory_space<semaphore_mem>>
        %dma_start3A_111 = arith.constant 0 : i32
        %dma_start3A_112 = arith.constant 0 : i32
        %dma_start3A_113 = tpu.memref_slice %arg7[%dma_start3A, %dma_start3A_111, %dma_start3A_112] : memref<3x128x128xf32, #tpu.memory_space<vmem>> -> memref<1x128x128xf32, #tpu.memory_space<vmem>>
        %dma_start3A_114 = tpu.memref_squeeze %dma_start3A_113 : memref<1x128x128xf32, #tpu.memory_space<vmem>> -> memref<128x128xf32, #tpu.memory_space<vmem>>
        %dma_start3A_115 = arith.constant 0 : i32
        %dma_start3A_116 = tpu.memref_slice %arg2[%add3A_101, %dma_start3A_115] : memref<320000x128xf32, #tpu.memory_space<hbm>> -> memref<128x128xf32, #tpu.memory_space<hbm>>
        tpu.enqueue_dma source(%dma_start3A_116 : memref<128x128xf32, #tpu.memory_space<hbm>>) target(%dma_start3A_114 : memref<128x128xf32, #tpu.memory_space<vmem>>) target_semaphore(%dma_start3A_110 : memref<!tpu.dma_semaphore, #tpu.memory_space<semaphore_mem>>)
        %dma_start3A_117 = arith.constant 2 : i32
        %dma_start3A_118 = arith.constant 0 : i32
        %dma_start3A_119 = arith.constant 2 : i32
        %dma_start3A_120 = arith.constant 0 : i32
        %dma_start3A_121 = tpu.memref_slice %arg8[%dma_start3A_117, %dma_start3A_118, %dma_start3A_120] : memref<3x1x128xi32, #tpu.memory_space<vmem>> -> memref<1x1x128xi32, #tpu.memory_space<vmem>>
        %dma_start3A_122 = tpu.memref_squeeze %dma_start3A_121 : memref<1x1x128xi32, #tpu.memory_space<vmem>> -> memref<128xi32, #tpu.memory_space<vmem>>
        %dma_start3A_123 = arith.constant 0 : i32
        %dma_start3A_124 = tpu.memref_slice %arg3[%add3A_97, %dma_start3A_123] : memref<1476x128xi32, #tpu.memory_space<hbm>> -> memref<1x128xi32, #tpu.memory_space<hbm>>
        %dma_start3A_125 = tpu.memref_squeeze %dma_start3A_124 : memref<1x128xi32, #tpu.memory_space<hbm>> -> memref<128xi32, #tpu.memory_space<hbm>>
        %dma_start3A_126 = tpu.memref_slice %arg9[%dma_start3A_119] : memref<3x!tpu.dma_semaphore, #tpu.memory_space<semaphore_mem>> -> memref<1x!tpu.dma_semaphore, #tpu.memory_space<semaphore_mem>>
        %dma_start3A_127 = tpu.memref_squeeze %dma_start3A_126 : memref<1x!tpu.dma_semaphore, #tpu.memory_space<semaphore_mem>> -> memref<!tpu.dma_semaphore, #tpu.memory_space<semaphore_mem>>
        %dma_start3A_128 = arith.constant 0 : i32
        %dma_start3A_129 = tpu.memref_slice %arg8[%dma_start3A_117, %dma_start3A_118, %dma_start3A_128] : memref<3x1x128xi32, #tpu.memory_space<vmem>> -> memref<1x1x128xi32, #tpu.memory_space<vmem>>
        %dma_start3A_130 = tpu.memref_squeeze %dma_start3A_129 : memref<1x1x128xi32, #tpu.memory_space<vmem>> -> memref<128xi32, #tpu.memory_space<vmem>>
        %dma_start3A_131 = arith.constant 0 : i32
        %dma_start3A_132 = tpu.memref_slice %arg3[%add3A_97, %dma_start3A_131] : memref<1476x128xi32, #tpu.memory_space<hbm>> -> memref<1x128xi32, #tpu.memory_space<hbm>>
        %dma_start3A_133 = tpu.memref_squeeze %dma_start3A_132 : memref<1x128xi32, #tpu.memory_space<hbm>> -> memref<128xi32, #tpu.memory_space<hbm>>
        tpu.enqueue_dma source(%dma_start3A_133 : memref<128xi32, #tpu.memory_space<hbm>>) target(%dma_start3A_130 : memref<128xi32, #tpu.memory_space<vmem>>) target_semaphore(%dma_start3A_127 : memref<!tpu.dma_semaphore, #tpu.memory_space<semaphore_mem>>)
      } else {
      }
      %add3A_50 = arith.constant 1 : i32
      %add3A_51 = arith.addi %mul3A_33, %add3A_50 : i32
      %lt3A_52 = arith.cmpi slt, %add3A_51, %min3A : i32
      %convert_element_type3A_53 = arith.extui %lt3A_52 : i1 to i32
      %cond3A_54 = arith.constant 0 : i32
      %cond3A_55 = arith.cmpi ne, %convert_element_type3A_53, %cond3A_54 : i32
      scf.if %cond3A_55 {
        %dma_wait3A = arith.constant 1 : i32
        %dma_wait3A_93 = arith.constant 1 : i32
        %dma_wait3A_94 = arith.constant 0 : i32
        %dma_wait3A_95 = arith.constant 0 : i32
        %dma_wait3A_96 = tpu.memref_slice %arg7[%dma_wait3A, %dma_wait3A_94, %dma_wait3A_95] : memref<3x128x128xf32, #tpu.memory_space<vmem>> -> memref<1x128x128xf32, #tpu.memory_space<vmem>>
        %dma_wait3A_97 = tpu.memref_squeeze %dma_wait3A_96 : memref<1x128x128xf32, #tpu.memory_space<vmem>> -> memref<128x128xf32, #tpu.memory_space<vmem>>
        %dma_wait3A_98 = arith.constant 0 : i32
        %dma_wait3A_99 = arith.constant 0 : i32
        %dma_wait3A_100 = tpu.memref_slice %arg2[%dma_wait3A_98, %dma_wait3A_99] : memref<320000x128xf32, #tpu.memory_space<hbm>> -> memref<128x128xf32, #tpu.memory_space<hbm>>
        %dma_wait3A_101 = tpu.memref_slice %arg9[%dma_wait3A_93] : memref<3x!tpu.dma_semaphore, #tpu.memory_space<semaphore_mem>> -> memref<1x!tpu.dma_semaphore, #tpu.memory_space<semaphore_mem>>
        %dma_wait3A_102 = tpu.memref_squeeze %dma_wait3A_101 : memref<1x!tpu.dma_semaphore, #tpu.memory_space<semaphore_mem>> -> memref<!tpu.dma_semaphore, #tpu.memory_space<semaphore_mem>>
        %dma_wait3A_103 = arith.constant 0 : i32
        %dma_wait3A_104 = arith.constant 0 : i32
        %dma_wait3A_105 = tpu.memref_slice %arg7[%dma_wait3A, %dma_wait3A_103, %dma_wait3A_104] : memref<3x128x128xf32, #tpu.memory_space<vmem>> -> memref<1x128x128xf32, #tpu.memory_space<vmem>>
        %dma_wait3A_106 = tpu.memref_squeeze %dma_wait3A_105 : memref<1x128x128xf32, #tpu.memory_space<vmem>> -> memref<128x128xf32, #tpu.memory_space<vmem>>
        %dma_wait3A_107 = arith.constant 0 : i32
        %dma_wait3A_108 = arith.constant 0 : i32
        %dma_wait3A_109 = tpu.memref_slice %arg2[%dma_wait3A_107, %dma_wait3A_108] : memref<320000x128xf32, #tpu.memory_space<hbm>> -> memref<128x128xf32, #tpu.memory_space<hbm>>
        tpu.wait_dma2 semaphore(%dma_wait3A_102 : memref<!tpu.dma_semaphore, #tpu.memory_space<semaphore_mem>>) src(%dma_wait3A_109 : memref<128x128xf32, #tpu.memory_space<hbm>>) dst(%dma_wait3A_106 : memref<128x128xf32, #tpu.memory_space<vmem>>)
        %dma_wait3A_110 = arith.constant 0 : i32
        %dma_wait3A_111 = arith.constant 1 : i32
        %dma_wait3A_112 = arith.constant 0 : i32
        %dma_wait3A_113 = arith.constant 1 : i32
        %dma_wait3A_114 = arith.constant 0 : i32
        %dma_wait3A_115 = tpu.memref_slice %arg8[%dma_wait3A_111, %dma_wait3A_112, %dma_wait3A_114] : memref<3x1x128xi32, #tpu.memory_space<vmem>> -> memref<1x1x128xi32, #tpu.memory_space<vmem>>
        %dma_wait3A_116 = tpu.memref_squeeze %dma_wait3A_115 : memref<1x1x128xi32, #tpu.memory_space<vmem>> -> memref<128xi32, #tpu.memory_space<vmem>>
        %dma_wait3A_117 = arith.constant 0 : i32
        %dma_wait3A_118 = tpu.memref_slice %arg3[%dma_wait3A_110, %dma_wait3A_117] : memref<1476x128xi32, #tpu.memory_space<hbm>> -> memref<1x128xi32, #tpu.memory_space<hbm>>
        %dma_wait3A_119 = tpu.memref_squeeze %dma_wait3A_118 : memref<1x128xi32, #tpu.memory_space<hbm>> -> memref<128xi32, #tpu.memory_space<hbm>>
        %dma_wait3A_120 = tpu.memref_slice %arg9[%dma_wait3A_113] : memref<3x!tpu.dma_semaphore, #tpu.memory_space<semaphore_mem>> -> memref<1x!tpu.dma_semaphore, #tpu.memory_space<semaphore_mem>>
        %dma_wait3A_121 = tpu.memref_squeeze %dma_wait3A_120 : memref<1x!tpu.dma_semaphore, #tpu.memory_space<semaphore_mem>> -> memref<!tpu.dma_semaphore, #tpu.memory_space<semaphore_mem>>
        %dma_wait3A_122 = arith.constant 0 : i32
        %dma_wait3A_123 = tpu.memref_slice %arg8[%dma_wait3A_111, %dma_wait3A_112, %dma_wait3A_122] : memref<3x1x128xi32, #tpu.memory_space<vmem>> -> memref<1x1x128xi32, #tpu.memory_space<vmem>>
        %dma_wait3A_124 = tpu.memref_squeeze %dma_wait3A_123 : memref<1x1x128xi32, #tpu.memory_space<vmem>> -> memref<128xi32, #tpu.memory_space<vmem>>
        %dma_wait3A_125 = arith.constant 0 : i32
        %dma_wait3A_126 = tpu.memref_slice %arg3[%dma_wait3A_110, %dma_wait3A_125] : memref<1476x128xi32, #tpu.memory_space<hbm>> -> memref<1x128xi32, #tpu.memory_space<hbm>>
        %dma_wait3A_127 = tpu.memref_squeeze %dma_wait3A_126 : memref<1x128xi32, #tpu.memory_space<hbm>> -> memref<128xi32, #tpu.memory_space<hbm>>
        tpu.wait_dma2 semaphore(%dma_wait3A_121 : memref<!tpu.dma_semaphore, #tpu.memory_space<semaphore_mem>>) src(%dma_wait3A_127 : memref<128xi32, #tpu.memory_space<hbm>>) dst(%dma_wait3A_124 : memref<128xi32, #tpu.memory_space<vmem>>)
        %dma_start3A = arith.constant 1 : i32
        %dma_start3A_128 = arith.constant 1 : i32
        %dma_start3A_129 = arith.constant 0 : i32
        %dma_start3A_130 = arith.constant 1 : i32
        %dma_start3A_131 = arith.constant 0 : i32
        %dma_start3A_132 = arith.constant 0 : i32
        %dma_start3A_133 = tpu.memref_slice %arg7[%dma_start3A, %dma_start3A_131, %dma_start3A_132] : memref<3x128x128xf32, #tpu.memory_space<vmem>> -> memref<1x128x128xf32, #tpu.memory_space<vmem>>
        %dma_start3A_134 = tpu.memref_squeeze %dma_start3A_133 : memref<1x128x128xf32, #tpu.memory_space<vmem>> -> memref<128x128xf32, #tpu.memory_space<vmem>>
        %dma_start3A_135 = arith.constant 0 : i32
        %dma_start3A_136 = tpu.memref_slice %arg8[%dma_start3A_128, %dma_start3A_129, %dma_start3A_135] : memref<3x1x128xi32, #tpu.memory_space<vmem>> -> memref<1x1x128xi32, #tpu.memory_space<vmem>>
        %dma_start3A_137 = tpu.memref_squeeze %dma_start3A_136 : memref<1x1x128xi32, #tpu.memory_space<vmem>> -> memref<128xi32, #tpu.memory_space<vmem>>
        %dma_start3A_138 = arith.constant 0 : i32
        %dma_start3A_139 = arith.constant 0 : i32
        %dma_start3A_140 = tpu.memref_slice %arg6[%dma_start3A_138, %dma_start3A_139] : memref<10000x128xf32, #tpu.memory_space<vmem_shared>> -> memref<10000x128xf32, #tpu.memory_space<vmem_shared>>
        %dma_start3A_141 = tpu.memref_slice %arg10[%dma_start3A_130] : memref<3x!tpu.dma_semaphore, #tpu.memory_space<semaphore_mem>> -> memref<1x!tpu.dma_semaphore, #tpu.memory_space<semaphore_mem>>
        %dma_start3A_142 = tpu.memref_squeeze %dma_start3A_141 : memref<1x!tpu.dma_semaphore, #tpu.memory_space<semaphore_mem>> -> memref<!tpu.dma_semaphore, #tpu.memory_space<semaphore_mem>>
        tpu.enqueue_indirect_dma source(%dma_start3A_134 : memref<128x128xf32, #tpu.memory_space<vmem>>) target(%dma_start3A_140 : memref<10000x128xf32, #tpu.memory_space<vmem_shared>>) offsets(%dma_start3A_137 : memref<128xi32, #tpu.memory_space<vmem>>) semaphore(%dma_start3A_142 : memref<!tpu.dma_semaphore, #tpu.memory_space<semaphore_mem>>) {add = true}
      } else {
      }
      %ge3A_56 = arith.constant 1 : i32
      %ge3A_57 = arith.cmpi sge, %add3A_51, %ge3A_56 : i32
      %sub3A_58 = arith.constant 1 : i32
      %sub3A_59 = arith.subi %add3A_51, %sub3A_58 : i32
      %lt3A_60 = arith.cmpi slt, %sub3A_59, %min3A : i32
      %and3A_61 = arith.andi %ge3A_57, %lt3A_60 : i1
      %convert_element_type3A_62 = arith.extui %and3A_61 : i1 to i32
      %cond3A_63 = arith.constant 0 : i32
      %cond3A_64 = arith.cmpi ne, %convert_element_type3A_62, %cond3A_63 : i32
      scf.if %cond3A_64 {
        %dma_wait3A = arith.constant 0 : i32
        %dma_wait3A_93 = arith.constant 0 : i32
        %dma_wait3A_94 = arith.constant 0 : i32
        %dma_wait3A_95 = arith.constant 0 : i32
        %dma_wait3A_96 = arith.constant 0 : i32
        %dma_wait3A_97 = arith.constant 0 : i32
        %dma_wait3A_98 = tpu.memref_slice %arg7[%dma_wait3A, %dma_wait3A_96, %dma_wait3A_97] : memref<3x128x128xf32, #tpu.memory_space<vmem>> -> memref<1x128x128xf32, #tpu.memory_space<vmem>>
        %dma_wait3A_99 = tpu.memref_squeeze %dma_wait3A_98 : memref<1x128x128xf32, #tpu.memory_space<vmem>> -> memref<128x128xf32, #tpu.memory_space<vmem>>
        %dma_wait3A_100 = arith.constant 0 : i32
        %dma_wait3A_101 = tpu.memref_slice %arg8[%dma_wait3A_93, %dma_wait3A_94, %dma_wait3A_100] : memref<3x1x128xi32, #tpu.memory_space<vmem>> -> memref<1x1x128xi32, #tpu.memory_space<vmem>>
        %dma_wait3A_102 = tpu.memref_squeeze %dma_wait3A_101 : memref<1x1x128xi32, #tpu.memory_space<vmem>> -> memref<128xi32, #tpu.memory_space<vmem>>
        %dma_wait3A_103 = arith.constant 0 : i32
        %dma_wait3A_104 = arith.constant 0 : i32
        %dma_wait3A_105 = tpu.memref_slice %arg6[%dma_wait3A_103, %dma_wait3A_104] : memref<10000x128xf32, #tpu.memory_space<vmem_shared>> -> memref<10000x128xf32, #tpu.memory_space<vmem_shared>>
        %dma_wait3A_106 = tpu.memref_slice %arg10[%dma_wait3A_95] : memref<3x!tpu.dma_semaphore, #tpu.memory_space<semaphore_mem>> -> memref<1x!tpu.dma_semaphore, #tpu.memory_space<semaphore_mem>>
        %dma_wait3A_107 = tpu.memref_squeeze %dma_wait3A_106 : memref<1x!tpu.dma_semaphore, #tpu.memory_space<semaphore_mem>> -> memref<!tpu.dma_semaphore, #tpu.memory_space<semaphore_mem>>
        tpu.wait_indirect_dma semaphore(%dma_wait3A_107 : memref<!tpu.dma_semaphore, #tpu.memory_space<semaphore_mem>>) src(%dma_wait3A_99 : memref<128x128xf32, #tpu.memory_space<vmem>>) dst(%dma_wait3A_105 : memref<10000x128xf32, #tpu.memory_space<vmem_shared>>)
      } else {
      }
      %add3A_65 = arith.constant 2 : i32
      %add3A_66 = arith.addi %add3A_51, %add3A_65 : i32
      %lt3A_67 = arith.cmpi slt, %add3A_66, %min3A : i32
      %convert_element_type3A_68 = arith.extui %lt3A_67 : i1 to i32
      %cond3A_69 = arith.constant 0 : i32
      %cond3A_70 = arith.cmpi ne, %convert_element_type3A_68, %cond3A_69 : i32
      scf.if %cond3A_70 {
        %add3A_93 = arith.constant 2 : i32
        %add3A_94 = arith.addi %add3A_51, %add3A_93 : i32
        %mul3A_95 = arith.constant 47 : i32
        %mul3A_96 = arith.muli %add3A, %mul3A_95 : i32
        %add3A_97 = arith.addi %mul3A_96, %add3A_94 : i32
        %mul3A_98 = arith.constant 128 : i32
        %mul3A_99 = arith.muli %add3A_97, %mul3A_98 : i32
        %add3A_100 = arith.constant 131072 : i32
        %add3A_101 = arith.addi %add3A_100, %mul3A_99 : i32
        %dma_start3A = arith.constant 0 : i32
        %dma_start3A_102 = arith.constant 0 : i32
        %dma_start3A_103 = arith.constant 0 : i32
        %dma_start3A_104 = arith.constant 0 : i32
        %dma_start3A_105 = tpu.memref_slice %arg7[%dma_start3A, %dma_start3A_103, %dma_start3A_104] : memref<3x128x128xf32, #tpu.memory_space<vmem>> -> memref<1x128x128xf32, #tpu.memory_space<vmem>>
        %dma_start3A_106 = tpu.memref_squeeze %dma_start3A_105 : memref<1x128x128xf32, #tpu.memory_space<vmem>> -> memref<128x128xf32, #tpu.memory_space<vmem>>
        %dma_start3A_107 = arith.constant 0 : i32
        %dma_start3A_108 = tpu.memref_slice %arg2[%add3A_101, %dma_start3A_107] : memref<320000x128xf32, #tpu.memory_space<hbm>> -> memref<128x128xf32, #tpu.memory_space<hbm>>
        %dma_start3A_109 = tpu.memref_slice %arg9[%dma_start3A_102] : memref<3x!tpu.dma_semaphore, #tpu.memory_space<semaphore_mem>> -> memref<1x!tpu.dma_semaphore, #tpu.memory_space<semaphore_mem>>
        %dma_start3A_110 = tpu.memref_squeeze %dma_start3A_109 : memref<1x!tpu.dma_semaphore, #tpu.memory_space<semaphore_mem>> -> memref<!tpu.dma_semaphore, #tpu.memory_space<semaphore_mem>>
        %dma_start3A_111 = arith.constant 0 : i32
        %dma_start3A_112 = arith.constant 0 : i32
        %dma_start3A_113 = tpu.memref_slice %arg7[%dma_start3A, %dma_start3A_111, %dma_start3A_112] : memref<3x128x128xf32, #tpu.memory_space<vmem>> -> memref<1x128x128xf32, #tpu.memory_space<vmem>>
        %dma_start3A_114 = tpu.memref_squeeze %dma_start3A_113 : memref<1x128x128xf32, #tpu.memory_space<vmem>> -> memref<128x128xf32, #tpu.memory_space<vmem>>
        %dma_start3A_115 = arith.constant 0 : i32
        %dma_start3A_116 = tpu.memref_slice %arg2[%add3A_101, %dma_start3A_115] : memref<320000x128xf32, #tpu.memory_space<hbm>> -> memref<128x128xf32, #tpu.memory_space<hbm>>
        tpu.enqueue_dma source(%dma_start3A_116 : memref<128x128xf32, #tpu.memory_space<hbm>>) target(%dma_start3A_114 : memref<128x128xf32, #tpu.memory_space<vmem>>) target_semaphore(%dma_start3A_110 : memref<!tpu.dma_semaphore, #tpu.memory_space<semaphore_mem>>)
        %dma_start3A_117 = arith.constant 0 : i32
        %dma_start3A_118 = arith.constant 0 : i32
        %dma_start3A_119 = arith.constant 0 : i32
        %dma_start3A_120 = arith.constant 0 : i32
        %dma_start3A_121 = tpu.memref_slice %arg8[%dma_start3A_117, %dma_start3A_118, %dma_start3A_120] : memref<3x1x128xi32, #tpu.memory_space<vmem>> -> memref<1x1x128xi32, #tpu.memory_space<vmem>>
        %dma_start3A_122 = tpu.memref_squeeze %dma_start3A_121 : memref<1x1x128xi32, #tpu.memory_space<vmem>> -> memref<128xi32, #tpu.memory_space<vmem>>
        %dma_start3A_123 = arith.constant 0 : i32
        %dma_start3A_124 = tpu.memref_slice %arg3[%add3A_97, %dma_start3A_123] : memref<1476x128xi32, #tpu.memory_space<hbm>> -> memref<1x128xi32, #tpu.memory_space<hbm>>
        %dma_start3A_125 = tpu.memref_squeeze %dma_start3A_124 : memref<1x128xi32, #tpu.memory_space<hbm>> -> memref<128xi32, #tpu.memory_space<hbm>>
        %dma_start3A_126 = tpu.memref_slice %arg9[%dma_start3A_119] : memref<3x!tpu.dma_semaphore, #tpu.memory_space<semaphore_mem>> -> memref<1x!tpu.dma_semaphore, #tpu.memory_space<semaphore_mem>>
        %dma_start3A_127 = tpu.memref_squeeze %dma_start3A_126 : memref<1x!tpu.dma_semaphore, #tpu.memory_space<semaphore_mem>> -> memref<!tpu.dma_semaphore, #tpu.memory_space<semaphore_mem>>
        %dma_start3A_128 = arith.constant 0 : i32
        %dma_start3A_129 = tpu.memref_slice %arg8[%dma_start3A_117, %dma_start3A_118, %dma_start3A_128] : memref<3x1x128xi32, #tpu.memory_space<vmem>> -> memref<1x1x128xi32, #tpu.memory_space<vmem>>
        %dma_start3A_130 = tpu.memref_squeeze %dma_start3A_129 : memref<1x1x128xi32, #tpu.memory_space<vmem>> -> memref<128xi32, #tpu.memory_space<vmem>>
        %dma_start3A_131 = arith.constant 0 : i32
        %dma_start3A_132 = tpu.memref_slice %arg3[%add3A_97, %dma_start3A_131] : memref<1476x128xi32, #tpu.memory_space<hbm>> -> memref<1x128xi32, #tpu.memory_space<hbm>>
        %dma_start3A_133 = tpu.memref_squeeze %dma_start3A_132 : memref<1x128xi32, #tpu.memory_space<hbm>> -> memref<128xi32, #tpu.memory_space<hbm>>
        tpu.enqueue_dma source(%dma_start3A_133 : memref<128xi32, #tpu.memory_space<hbm>>) target(%dma_start3A_130 : memref<128xi32, #tpu.memory_space<vmem>>) target_semaphore(%dma_start3A_127 : memref<!tpu.dma_semaphore, #tpu.memory_space<semaphore_mem>>)
      } else {
      }
      %add3A_71 = arith.constant 2 : i32
      %add3A_72 = arith.addi %mul3A_33, %add3A_71 : i32
      %lt3A_73 = arith.cmpi slt, %add3A_72, %min3A : i32
      %convert_element_type3A_74 = arith.extui %lt3A_73 : i1 to i32
      %cond3A_75 = arith.constant 0 : i32
      %cond3A_76 = arith.cmpi ne, %convert_element_type3A_74, %cond3A_75 : i32
      scf.if %cond3A_76 {
        %dma_wait3A = arith.constant 2 : i32
        %dma_wait3A_93 = arith.constant 2 : i32
        %dma_wait3A_94 = arith.constant 0 : i32
        %dma_wait3A_95 = arith.constant 0 : i32
        %dma_wait3A_96 = tpu.memref_slice %arg7[%dma_wait3A, %dma_wait3A_94, %dma_wait3A_95] : memref<3x128x128xf32, #tpu.memory_space<vmem>> -> memref<1x128x128xf32, #tpu.memory_space<vmem>>
        %dma_wait3A_97 = tpu.memref_squeeze %dma_wait3A_96 : memref<1x128x128xf32, #tpu.memory_space<vmem>> -> memref<128x128xf32, #tpu.memory_space<vmem>>
        %dma_wait3A_98 = arith.constant 0 : i32
        %dma_wait3A_99 = arith.constant 0 : i32
        %dma_wait3A_100 = tpu.memref_slice %arg2[%dma_wait3A_98, %dma_wait3A_99] : memref<320000x128xf32, #tpu.memory_space<hbm>> -> memref<128x128xf32, #tpu.memory_space<hbm>>
        %dma_wait3A_101 = tpu.memref_slice %arg9[%dma_wait3A_93] : memref<3x!tpu.dma_semaphore, #tpu.memory_space<semaphore_mem>> -> memref<1x!tpu.dma_semaphore, #tpu.memory_space<semaphore_mem>>
        %dma_wait3A_102 = tpu.memref_squeeze %dma_wait3A_101 : memref<1x!tpu.dma_semaphore, #tpu.memory_space<semaphore_mem>> -> memref<!tpu.dma_semaphore, #tpu.memory_space<semaphore_mem>>
        %dma_wait3A_103 = arith.constant 0 : i32
        %dma_wait3A_104 = arith.constant 0 : i32
        %dma_wait3A_105 = tpu.memref_slice %arg7[%dma_wait3A, %dma_wait3A_103, %dma_wait3A_104] : memref<3x128x128xf32, #tpu.memory_space<vmem>> -> memref<1x128x128xf32, #tpu.memory_space<vmem>>
        %dma_wait3A_106 = tpu.memref_squeeze %dma_wait3A_105 : memref<1x128x128xf32, #tpu.memory_space<vmem>> -> memref<128x128xf32, #tpu.memory_space<vmem>>
        %dma_wait3A_107 = arith.constant 0 : i32
        %dma_wait3A_108 = arith.constant 0 : i32
        %dma_wait3A_109 = tpu.memref_slice %arg2[%dma_wait3A_107, %dma_wait3A_108] : memref<320000x128xf32, #tpu.memory_space<hbm>> -> memref<128x128xf32, #tpu.memory_space<hbm>>
        tpu.wait_dma2 semaphore(%dma_wait3A_102 : memref<!tpu.dma_semaphore, #tpu.memory_space<semaphore_mem>>) src(%dma_wait3A_109 : memref<128x128xf32, #tpu.memory_space<hbm>>) dst(%dma_wait3A_106 : memref<128x128xf32, #tpu.memory_space<vmem>>)
        %dma_wait3A_110 = arith.constant 0 : i32
        %dma_wait3A_111 = arith.constant 2 : i32
        %dma_wait3A_112 = arith.constant 0 : i32
        %dma_wait3A_113 = arith.constant 2 : i32
        %dma_wait3A_114 = arith.constant 0 : i32
        %dma_wait3A_115 = tpu.memref_slice %arg8[%dma_wait3A_111, %dma_wait3A_112, %dma_wait3A_114] : memref<3x1x128xi32, #tpu.memory_space<vmem>> -> memref<1x1x128xi32, #tpu.memory_space<vmem>>
        %dma_wait3A_116 = tpu.memref_squeeze %dma_wait3A_115 : memref<1x1x128xi32, #tpu.memory_space<vmem>> -> memref<128xi32, #tpu.memory_space<vmem>>
        %dma_wait3A_117 = arith.constant 0 : i32
        %dma_wait3A_118 = tpu.memref_slice %arg3[%dma_wait3A_110, %dma_wait3A_117] : memref<1476x128xi32, #tpu.memory_space<hbm>> -> memref<1x128xi32, #tpu.memory_space<hbm>>
        %dma_wait3A_119 = tpu.memref_squeeze %dma_wait3A_118 : memref<1x128xi32, #tpu.memory_space<hbm>> -> memref<128xi32, #tpu.memory_space<hbm>>
        %dma_wait3A_120 = tpu.memref_slice %arg9[%dma_wait3A_113] : memref<3x!tpu.dma_semaphore, #tpu.memory_space<semaphore_mem>> -> memref<1x!tpu.dma_semaphore, #tpu.memory_space<semaphore_mem>>
        %dma_wait3A_121 = tpu.memref_squeeze %dma_wait3A_120 : memref<1x!tpu.dma_semaphore, #tpu.memory_space<semaphore_mem>> -> memref<!tpu.dma_semaphore, #tpu.memory_space<semaphore_mem>>
        %dma_wait3A_122 = arith.constant 0 : i32
        %dma_wait3A_123 = tpu.memref_slice %arg8[%dma_wait3A_111, %dma_wait3A_112, %dma_wait3A_122] : memref<3x1x128xi32, #tpu.memory_space<vmem>> -> memref<1x1x128xi32, #tpu.memory_space<vmem>>
        %dma_wait3A_124 = tpu.memref_squeeze %dma_wait3A_123 : memref<1x1x128xi32, #tpu.memory_space<vmem>> -> memref<128xi32, #tpu.memory_space<vmem>>
        %dma_wait3A_125 = arith.constant 0 : i32
        %dma_wait3A_126 = tpu.memref_slice %arg3[%dma_wait3A_110, %dma_wait3A_125] : memref<1476x128xi32, #tpu.memory_space<hbm>> -> memref<1x128xi32, #tpu.memory_space<hbm>>
        %dma_wait3A_127 = tpu.memref_squeeze %dma_wait3A_126 : memref<1x128xi32, #tpu.memory_space<hbm>> -> memref<128xi32, #tpu.memory_space<hbm>>
        tpu.wait_dma2 semaphore(%dma_wait3A_121 : memref<!tpu.dma_semaphore, #tpu.memory_space<semaphore_mem>>) src(%dma_wait3A_127 : memref<128xi32, #tpu.memory_space<hbm>>) dst(%dma_wait3A_124 : memref<128xi32, #tpu.memory_space<vmem>>)
        %dma_start3A = arith.constant 2 : i32
        %dma_start3A_128 = arith.constant 2 : i32
        %dma_start3A_129 = arith.constant 0 : i32
        %dma_start3A_130 = arith.constant 2 : i32
        %dma_start3A_131 = arith.constant 0 : i32
        %dma_start3A_132 = arith.constant 0 : i32
        %dma_start3A_133 = tpu.memref_slice %arg7[%dma_start3A, %dma_start3A_131, %dma_start3A_132] : memref<3x128x128xf32, #tpu.memory_space<vmem>> -> memref<1x128x128xf32, #tpu.memory_space<vmem>>
        %dma_start3A_134 = tpu.memref_squeeze %dma_start3A_133 : memref<1x128x128xf32, #tpu.memory_space<vmem>> -> memref<128x128xf32, #tpu.memory_space<vmem>>
        %dma_start3A_135 = arith.constant 0 : i32
        %dma_start3A_136 = tpu.memref_slice %arg8[%dma_start3A_128, %dma_start3A_129, %dma_start3A_135] : memref<3x1x128xi32, #tpu.memory_space<vmem>> -> memref<1x1x128xi32, #tpu.memory_space<vmem>>
        %dma_start3A_137 = tpu.memref_squeeze %dma_start3A_136 : memref<1x1x128xi32, #tpu.memory_space<vmem>> -> memref<128xi32, #tpu.memory_space<vmem>>
        %dma_start3A_138 = arith.constant 0 : i32
        %dma_start3A_139 = arith.constant 0 : i32
        %dma_start3A_140 = tpu.memref_slice %arg6[%dma_start3A_138, %dma_start3A_139] : memref<10000x128xf32, #tpu.memory_space<vmem_shared>> -> memref<10000x128xf32, #tpu.memory_space<vmem_shared>>
        %dma_start3A_141 = tpu.memref_slice %arg10[%dma_start3A_130] : memref<3x!tpu.dma_semaphore, #tpu.memory_space<semaphore_mem>> -> memref<1x!tpu.dma_semaphore, #tpu.memory_space<semaphore_mem>>
        %dma_start3A_142 = tpu.memref_squeeze %dma_start3A_141 : memref<1x!tpu.dma_semaphore, #tpu.memory_space<semaphore_mem>> -> memref<!tpu.dma_semaphore, #tpu.memory_space<semaphore_mem>>
        tpu.enqueue_indirect_dma source(%dma_start3A_134 : memref<128x128xf32, #tpu.memory_space<vmem>>) target(%dma_start3A_140 : memref<10000x128xf32, #tpu.memory_space<vmem_shared>>) offsets(%dma_start3A_137 : memref<128xi32, #tpu.memory_space<vmem>>) semaphore(%dma_start3A_142 : memref<!tpu.dma_semaphore, #tpu.memory_space<semaphore_mem>>) {add = true}
      } else {
      }
      %ge3A_77 = arith.constant 1 : i32
      %ge3A_78 = arith.cmpi sge, %add3A_72, %ge3A_77 : i32
      %sub3A_79 = arith.constant 1 : i32
      %sub3A_80 = arith.subi %add3A_72, %sub3A_79 : i32
      %lt3A_81 = arith.cmpi slt, %sub3A_80, %min3A : i32
      %and3A_82 = arith.andi %ge3A_78, %lt3A_81 : i1
      %convert_element_type3A_83 = arith.extui %and3A_82 : i1 to i32
      %cond3A_84 = arith.constant 0 : i32
      %cond3A_85 = arith.cmpi ne, %convert_element_type3A_83, %cond3A_84 : i32
      scf.if %cond3A_85 {
        %dma_wait3A = arith.constant 1 : i32
        %dma_wait3A_93 = arith.constant 1 : i32
        %dma_wait3A_94 = arith.constant 0 : i32
        %dma_wait3A_95 = arith.constant 1 : i32
        %dma_wait3A_96 = arith.constant 0 : i32
        %dma_wait3A_97 = arith.constant 0 : i32
        %dma_wait3A_98 = tpu.memref_slice %arg7[%dma_wait3A, %dma_wait3A_96, %dma_wait3A_97] : memref<3x128x128xf32, #tpu.memory_space<vmem>> -> memref<1x128x128xf32, #tpu.memory_space<vmem>>
        %dma_wait3A_99 = tpu.memref_squeeze %dma_wait3A_98 : memref<1x128x128xf32, #tpu.memory_space<vmem>> -> memref<128x128xf32, #tpu.memory_space<vmem>>
        %dma_wait3A_100 = arith.constant 0 : i32
        %dma_wait3A_101 = tpu.memref_slice %arg8[%dma_wait3A_93, %dma_wait3A_94, %dma_wait3A_100] : memref<3x1x128xi32, #tpu.memory_space<vmem>> -> memref<1x1x128xi32, #tpu.memory_space<vmem>>
        %dma_wait3A_102 = tpu.memref_squeeze %dma_wait3A_101 : memref<1x1x128xi32, #tpu.memory_space<vmem>> -> memref<128xi32, #tpu.memory_space<vmem>>
        %dma_wait3A_103 = arith.constant 0 : i32
        %dma_wait3A_104 = arith.constant 0 : i32
        %dma_wait3A_105 = tpu.memref_slice %arg6[%dma_wait3A_103, %dma_wait3A_104] : memref<10000x128xf32, #tpu.memory_space<vmem_shared>> -> memref<10000x128xf32, #tpu.memory_space<vmem_shared>>
        %dma_wait3A_106 = tpu.memref_slice %arg10[%dma_wait3A_95] : memref<3x!tpu.dma_semaphore, #tpu.memory_space<semaphore_mem>> -> memref<1x!tpu.dma_semaphore, #tpu.memory_space<semaphore_mem>>
        %dma_wait3A_107 = tpu.memref_squeeze %dma_wait3A_106 : memref<1x!tpu.dma_semaphore, #tpu.memory_space<semaphore_mem>> -> memref<!tpu.dma_semaphore, #tpu.memory_space<semaphore_mem>>
        tpu.wait_indirect_dma semaphore(%dma_wait3A_107 : memref<!tpu.dma_semaphore, #tpu.memory_space<semaphore_mem>>) src(%dma_wait3A_99 : memref<128x128xf32, #tpu.memory_space<vmem>>) dst(%dma_wait3A_105 : memref<10000x128xf32, #tpu.memory_space<vmem_shared>>)
      } else {
      }
      %add3A_86 = arith.constant 2 : i32
      %add3A_87 = arith.addi %add3A_72, %add3A_86 : i32
      %lt3A_88 = arith.cmpi slt, %add3A_87, %min3A : i32
      %convert_element_type3A_89 = arith.extui %lt3A_88 : i1 to i32
      %cond3A_90 = arith.constant 0 : i32
      %cond3A_91 = arith.cmpi ne, %convert_element_type3A_89, %cond3A_90 : i32
      scf.if %cond3A_91 {
        %add3A_93 = arith.constant 2 : i32
        %add3A_94 = arith.addi %add3A_72, %add3A_93 : i32
        %mul3A_95 = arith.constant 47 : i32
        %mul3A_96 = arith.muli %add3A, %mul3A_95 : i32
        %add3A_97 = arith.addi %mul3A_96, %add3A_94 : i32
        %mul3A_98 = arith.constant 128 : i32
        %mul3A_99 = arith.muli %add3A_97, %mul3A_98 : i32
        %add3A_100 = arith.constant 131072 : i32
        %add3A_101 = arith.addi %add3A_100, %mul3A_99 : i32
        %dma_start3A = arith.constant 1 : i32
        %dma_start3A_102 = arith.constant 1 : i32
        %dma_start3A_103 = arith.constant 0 : i32
        %dma_start3A_104 = arith.constant 0 : i32
        %dma_start3A_105 = tpu.memref_slice %arg7[%dma_start3A, %dma_start3A_103, %dma_start3A_104] : memref<3x128x128xf32, #tpu.memory_space<vmem>> -> memref<1x128x128xf32, #tpu.memory_space<vmem>>
        %dma_start3A_106 = tpu.memref_squeeze %dma_start3A_105 : memref<1x128x128xf32, #tpu.memory_space<vmem>> -> memref<128x128xf32, #tpu.memory_space<vmem>>
        %dma_start3A_107 = arith.constant 0 : i32
        %dma_start3A_108 = tpu.memref_slice %arg2[%add3A_101, %dma_start3A_107] : memref<320000x128xf32, #tpu.memory_space<hbm>> -> memref<128x128xf32, #tpu.memory_space<hbm>>
        %dma_start3A_109 = tpu.memref_slice %arg9[%dma_start3A_102] : memref<3x!tpu.dma_semaphore, #tpu.memory_space<semaphore_mem>> -> memref<1x!tpu.dma_semaphore, #tpu.memory_space<semaphore_mem>>
        %dma_start3A_110 = tpu.memref_squeeze %dma_start3A_109 : memref<1x!tpu.dma_semaphore, #tpu.memory_space<semaphore_mem>> -> memref<!tpu.dma_semaphore, #tpu.memory_space<semaphore_mem>>
        %dma_start3A_111 = arith.constant 0 : i32
        %dma_start3A_112 = arith.constant 0 : i32
        %dma_start3A_113 = tpu.memref_slice %arg7[%dma_start3A, %dma_start3A_111, %dma_start3A_112] : memref<3x128x128xf32, #tpu.memory_space<vmem>> -> memref<1x128x128xf32, #tpu.memory_space<vmem>>
        %dma_start3A_114 = tpu.memref_squeeze %dma_start3A_113 : memref<1x128x128xf32, #tpu.memory_space<vmem>> -> memref<128x128xf32, #tpu.memory_space<vmem>>
        %dma_start3A_115 = arith.constant 0 : i32
        %dma_start3A_116 = tpu.memref_slice %arg2[%add3A_101, %dma_start3A_115] : memref<320000x128xf32, #tpu.memory_space<hbm>> -> memref<128x128xf32, #tpu.memory_space<hbm>>
        tpu.enqueue_dma source(%dma_start3A_116 : memref<128x128xf32, #tpu.memory_space<hbm>>) target(%dma_start3A_114 : memref<128x128xf32, #tpu.memory_space<vmem>>) target_semaphore(%dma_start3A_110 : memref<!tpu.dma_semaphore, #tpu.memory_space<semaphore_mem>>)
        %dma_start3A_117 = arith.constant 1 : i32
        %dma_start3A_118 = arith.constant 0 : i32
        %dma_start3A_119 = arith.constant 1 : i32
        %dma_start3A_120 = arith.constant 0 : i32
        %dma_start3A_121 = tpu.memref_slice %arg8[%dma_start3A_117, %dma_start3A_118, %dma_start3A_120] : memref<3x1x128xi32, #tpu.memory_space<vmem>> -> memref<1x1x128xi32, #tpu.memory_space<vmem>>
        %dma_start3A_122 = tpu.memref_squeeze %dma_start3A_121 : memref<1x1x128xi32, #tpu.memory_space<vmem>> -> memref<128xi32, #tpu.memory_space<vmem>>
        %dma_start3A_123 = arith.constant 0 : i32
        %dma_start3A_124 = tpu.memref_slice %arg3[%add3A_97, %dma_start3A_123] : memref<1476x128xi32, #tpu.memory_space<hbm>> -> memref<1x128xi32, #tpu.memory_space<hbm>>
        %dma_start3A_125 = tpu.memref_squeeze %dma_start3A_124 : memref<1x128xi32, #tpu.memory_space<hbm>> -> memref<128xi32, #tpu.memory_space<hbm>>
        %dma_start3A_126 = tpu.memref_slice %arg9[%dma_start3A_119] : memref<3x!tpu.dma_semaphore, #tpu.memory_space<semaphore_mem>> -> memref<1x!tpu.dma_semaphore, #tpu.memory_space<semaphore_mem>>
        %dma_start3A_127 = tpu.memref_squeeze %dma_start3A_126 : memref<1x!tpu.dma_semaphore, #tpu.memory_space<semaphore_mem>> -> memref<!tpu.dma_semaphore, #tpu.memory_space<semaphore_mem>>
        %dma_start3A_128 = arith.constant 0 : i32
        %dma_start3A_129 = tpu.memref_slice %arg8[%dma_start3A_117, %dma_start3A_118, %dma_start3A_128] : memref<3x1x128xi32, #tpu.memory_space<vmem>> -> memref<1x1x128xi32, #tpu.memory_space<vmem>>
        %dma_start3A_130 = tpu.memref_squeeze %dma_start3A_129 : memref<1x1x128xi32, #tpu.memory_space<vmem>> -> memref<128xi32, #tpu.memory_space<vmem>>
        %dma_start3A_131 = arith.constant 0 : i32
        %dma_start3A_132 = tpu.memref_slice %arg3[%add3A_97, %dma_start3A_131] : memref<1476x128xi32, #tpu.memory_space<hbm>> -> memref<1x128xi32, #tpu.memory_space<hbm>>
        %dma_start3A_133 = tpu.memref_squeeze %dma_start3A_132 : memref<1x128xi32, #tpu.memory_space<hbm>> -> memref<128xi32, #tpu.memory_space<hbm>>
        tpu.enqueue_dma source(%dma_start3A_133 : memref<128xi32, #tpu.memory_space<hbm>>) target(%dma_start3A_130 : memref<128xi32, #tpu.memory_space<vmem>>) target_semaphore(%dma_start3A_127 : memref<!tpu.dma_semaphore, #tpu.memory_space<semaphore_mem>>)
      } else {
      }
      %scan3A_92 = arith.constant 0 : i32
      scf.yield %scan3A_92 : i32
    }
    %scan3A_23 = arith.constant 17 : i32
    %barrier3A_24 = arith.constant 0 : index
    tpu.barrier barrier_id(%barrier3A_24)
    "tpu.region"() ({
      %run_scoped3A = tpu.sem_alloc : memref<!tpu.dma_semaphore, #tpu.memory_space<semaphore_mem>>
      %dma_start3A = arith.constant 0 : i32
      %dma_start3A_30 = tpu.memref_slice %arg5[%arg0, %mul3A_13, %dma_start3A] : memref<2x10000x128xf32, #tpu.memory_space<hbm>> -> memref<1x624x128xf32, #tpu.memory_space<hbm>>
      %dma_start3A_31 = tpu.memref_squeeze %dma_start3A_30 : memref<1x624x128xf32, #tpu.memory_space<hbm>> -> memref<624x128xf32, #tpu.memory_space<hbm>>
      %dma_start3A_32 = arith.constant 0 : i32
      %dma_start3A_33 = tpu.memref_slice %arg6[%mul3A_13, %dma_start3A_32] : memref<10000x128xf32, #tpu.memory_space<vmem_shared>> -> memref<624x128xf32, #tpu.memory_space<vmem_shared>>
      tpu.enqueue_dma source(%dma_start3A_33 : memref<624x128xf32, #tpu.memory_space<vmem_shared>>) target(%dma_start3A_31 : memref<624x128xf32, #tpu.memory_space<hbm>>) target_semaphore(%run_scoped3A : memref<!tpu.dma_semaphore, #tpu.memory_space<semaphore_mem>>)
      %dma_wait3A = arith.constant 0 : i32
      %dma_wait3A_34 = tpu.memref_slice %arg5[%arg0, %mul3A_13, %dma_wait3A] : memref<2x10000x128xf32, #tpu.memory_space<hbm>> -> memref<1x624x128xf32, #tpu.memory_space<hbm>>
      %dma_wait3A_35 = tpu.memref_squeeze %dma_wait3A_34 : memref<1x624x128xf32, #tpu.memory_space<hbm>> -> memref<624x128xf32, #tpu.memory_space<hbm>>
      %dma_wait3A_36 = arith.constant 0 : i32
      %dma_wait3A_37 = tpu.memref_slice %arg6[%mul3A_13, %dma_wait3A_36] : memref<10000x128xf32, #tpu.memory_space<vmem_shared>> -> memref<624x128xf32, #tpu.memory_space<vmem_shared>>
      tpu.wait_dma2 semaphore(%run_scoped3A : memref<!tpu.dma_semaphore, #tpu.memory_space<semaphore_mem>>) src(%dma_wait3A_37 : memref<624x128xf32, #tpu.memory_space<vmem_shared>>) dst(%dma_wait3A_35 : memref<624x128xf32, #tpu.memory_space<hbm>>)
      tpu.yield
    }) : () -> ()
    %eq3A_25 = arith.constant 15 : i32
    %eq3A_26 = arith.cmpi eq, %arg1, %eq3A_25 : i32
    %convert_element_type3A_27 = arith.extui %eq3A_26 : i1 to i32
    %cond3A_28 = arith.constant 0 : i32
    %cond3A_29 = arith.cmpi ne, %convert_element_type3A_27, %cond3A_28 : i32
    scf.if %cond3A_29 {
      "tpu.region"() ({
        %run_scoped3A = tpu.sem_alloc : memref<!tpu.dma_semaphore, #tpu.memory_space<semaphore_mem>>
        %dma_start3A = arith.constant 9984 : i32
        %dma_start3A_30 = arith.constant 0 : i32
        %dma_start3A_31 = tpu.memref_slice %arg5[%arg0, %dma_start3A, %dma_start3A_30] : memref<2x10000x128xf32, #tpu.memory_space<hbm>> -> memref<1x16x128xf32, #tpu.memory_space<hbm>>
        %dma_start3A_32 = tpu.memref_squeeze %dma_start3A_31 : memref<1x16x128xf32, #tpu.memory_space<hbm>> -> memref<16x128xf32, #tpu.memory_space<hbm>>
        %dma_start3A_33 = arith.constant 9984 : i32
        %dma_start3A_34 = arith.constant 0 : i32
        %dma_start3A_35 = tpu.memref_slice %arg6[%dma_start3A_33, %dma_start3A_34] : memref<10000x128xf32, #tpu.memory_space<vmem_shared>> -> memref<16x128xf32, #tpu.memory_space<vmem_shared>>
        tpu.enqueue_dma source(%dma_start3A_35 : memref<16x128xf32, #tpu.memory_space<vmem_shared>>) target(%dma_start3A_32 : memref<16x128xf32, #tpu.memory_space<hbm>>) target_semaphore(%run_scoped3A : memref<!tpu.dma_semaphore, #tpu.memory_space<semaphore_mem>>)
        %dma_wait3A = arith.constant 9984 : i32
        %dma_wait3A_36 = arith.constant 0 : i32
        %dma_wait3A_37 = tpu.memref_slice %arg5[%arg0, %dma_wait3A, %dma_wait3A_36] : memref<2x10000x128xf32, #tpu.memory_space<hbm>> -> memref<1x16x128xf32, #tpu.memory_space<hbm>>
        %dma_wait3A_38 = tpu.memref_squeeze %dma_wait3A_37 : memref<1x16x128xf32, #tpu.memory_space<hbm>> -> memref<16x128xf32, #tpu.memory_space<hbm>>
        %dma_wait3A_39 = arith.constant 9984 : i32
        %dma_wait3A_40 = arith.constant 0 : i32
        %dma_wait3A_41 = tpu.memref_slice %arg6[%dma_wait3A_39, %dma_wait3A_40] : memref<10000x128xf32, #tpu.memory_space<vmem_shared>> -> memref<16x128xf32, #tpu.memory_space<vmem_shared>>
        tpu.wait_dma2 semaphore(%run_scoped3A : memref<!tpu.dma_semaphore, #tpu.memory_space<semaphore_mem>>) src(%dma_wait3A_41 : memref<16x128xf32, #tpu.memory_space<vmem_shared>>) dst(%dma_wait3A_38 : memref<16x128xf32, #tpu.memory_space<hbm>>)
        tpu.yield
      }) : () -> ()
    } else {
    }
    return
  }
}

module attributes {stable_mosaic.version = 14 : i64} {
  func.func @_tc_seg_body(%arg0: i32, %arg1: memref<1x1x2048xi32, #tpu.memory_space<vmem>>, %arg2: memref<2048x128xf32, #tpu.memory_space<vmem>>, %arg3: memref<10128x128xf32, #tpu.memory_space<vmem>>) attributes {dimension_semantics = [#tpu.dimension_semantics<arbitrary>], iteration_bounds = array<i64: 64>, scalar_prefetch = 0 : i64, scratch_operands = 0 : i64, tpu.core_type = #tpu.core_type<tc>, window_params = [{transform_indices = @transform_0, window_bounds = array<i64: 1, 1, 2048>}, {transform_indices = @transform_1, window_bounds = array<i64: 2048, 128>}, {pipeline_mode = #tpu.pipeline_mode<synchronous>, transform_indices = @transform_2, window_bounds = array<i64: 10128, 128>}]} {
    %eq3A = arith.constant 0 : i32
    %eq3A_0 = arith.cmpi eq, %arg0, %eq3A : i32
    %convert_element_type3A = arith.extui %eq3A_0 : i1 to i32
    %cond3A = arith.constant 0 : i32
    %cond3A_1 = arith.cmpi ne, %convert_element_type3A, %cond3A : i32
    scf.if %cond3A_1 {
      %broadcast_in_dim3A = arith.constant 0.000000e+00 : f32
      %broadcast_in_dim3A_65 = vector.broadcast %broadcast_in_dim3A : f32 to vector<10128x128xf32>
      %swap3A = arith.constant 0 : index
      %swap3A_66 = arith.constant 0 : index
      %swap3A_67 = vector.load %arg3[%swap3A, %swap3A_66] : memref<10128x128xf32, #tpu.memory_space<vmem>>, vector<10128x128xf32>
      tpu.vector_store %arg3[%swap3A, %swap3A_66], %broadcast_in_dim3A_65 {strides = array<i32>} : memref<10128x128xf32, #tpu.memory_space<vmem>>, vector<10128x128xf32>,
    } else {
    }
    %get3A = arith.constant 0 : index
    %get3A_2 = arith.constant 0 : index
    %get3A_3 = arith.constant 0 : index
    %get3A_4 = vector.load %arg1[%get3A, %get3A_2, %get3A_3] : memref<1x1x2048xi32, #tpu.memory_space<vmem>>, vector<1x1x2048xi32>
    %get3A_5 = vector.shape_cast %get3A_4 : vector<1x1x2048xi32> to vector<2048xi32>
    %get3A_6 = arith.constant 0 : index
    %get3A_7 = arith.constant 0 : index
    %get3A_8 = vector.load %arg2[%get3A_6, %get3A_7] : memref<2048x128xf32, #tpu.memory_space<vmem>>, vector<2048x128xf32>
    %slice3A = vector.extract_strided_slice %get3A_5 {offsets = [0], sizes = [1], strides = [1]} : vector<2048xi32> to vector<1xi32>
    %squeeze3A = vector.extract %slice3A[0] : i32 from vector<1xi32>
    %jit3A = arith.constant 8 : i32
    %div3A = arith.divsi %squeeze3A, %jit3A : i32
    %sign3A = arith.constant 0 : i32
    %sign3A_9 = arith.cmpi sgt, %squeeze3A, %sign3A : i32
    %sign3A_10 = arith.extui %sign3A_9 : i1 to i32
    %sign3A_11 = arith.constant 0 : i32
    %sign3A_12 = arith.cmpi slt, %squeeze3A, %sign3A_11 : i32
    %sign3A_13 = arith.extui %sign3A_12 : i1 to i32
    %sign3A_14 = arith.subi %sign3A_10, %sign3A_13 : i32
    %sign3A_15 = arith.constant 0 : i32
    %sign3A_16 = arith.cmpi sgt, %jit3A, %sign3A_15 : i32
    %sign3A_17 = arith.extui %sign3A_16 : i1 to i32
    %sign3A_18 = arith.constant 0 : i32
    %sign3A_19 = arith.cmpi slt, %jit3A, %sign3A_18 : i32
    %sign3A_20 = arith.extui %sign3A_19 : i1 to i32
    %sign3A_21 = arith.subi %sign3A_17, %sign3A_20 : i32
    %ne3A = arith.cmpi ne, %sign3A_14, %sign3A_21 : i32
    %rem3A = arith.remsi %squeeze3A, %jit3A : i32
    %ne3A_22 = arith.constant 0 : i32
    %ne3A_23 = arith.cmpi ne, %rem3A, %ne3A_22 : i32
    %and3A = arith.andi %ne3A, %ne3A_23 : i1
    %sub3A = arith.constant 1 : i32
    %sub3A_24 = arith.subi %div3A, %sub3A : i32
    %select_n3A = arith.select %and3A, %sub3A_24, %div3A : i32
    %mul3A = arith.constant 8 : i32
    %mul3A_25 = arith.muli %select_n3A, %mul3A : i32
    %slice3A_26 = vector.extract_strided_slice %get3A_5 {offsets = [2047], sizes = [1], strides = [1]} : vector<2048xi32> to vector<1xi32>
    %squeeze3A_27 = vector.extract %slice3A_26[0] : i32 from vector<1xi32>
    %sub3A_28 = arith.subi %squeeze3A_27, %mul3A_25 : i32
    %jit3A_29 = arith.constant 128 : i32
    %div3A_30 = arith.divsi %sub3A_28, %jit3A_29 : i32
    %sign3A_31 = arith.constant 0 : i32
    %sign3A_32 = arith.cmpi sgt, %sub3A_28, %sign3A_31 : i32
    %sign3A_33 = arith.extui %sign3A_32 : i1 to i32
    %sign3A_34 = arith.constant 0 : i32
    %sign3A_35 = arith.cmpi slt, %sub3A_28, %sign3A_34 : i32
    %sign3A_36 = arith.extui %sign3A_35 : i1 to i32
    %sign3A_37 = arith.subi %sign3A_33, %sign3A_36 : i32
    %sign3A_38 = arith.constant 0 : i32
    %sign3A_39 = arith.cmpi sgt, %jit3A_29, %sign3A_38 : i32
    %sign3A_40 = arith.extui %sign3A_39 : i1 to i32
    %sign3A_41 = arith.constant 0 : i32
    %sign3A_42 = arith.cmpi slt, %jit3A_29, %sign3A_41 : i32
    %sign3A_43 = arith.extui %sign3A_42 : i1 to i32
    %sign3A_44 = arith.subi %sign3A_40, %sign3A_43 : i32
    %ne3A_45 = arith.cmpi ne, %sign3A_37, %sign3A_44 : i32
    %rem3A_46 = arith.remsi %sub3A_28, %jit3A_29 : i32
    %ne3A_47 = arith.constant 0 : i32
    %ne3A_48 = arith.cmpi ne, %rem3A_46, %ne3A_47 : i32
    %and3A_49 = arith.andi %ne3A_45, %ne3A_48 : i1
    %sub3A_50 = arith.constant 1 : i32
    %sub3A_51 = arith.subi %div3A_30, %sub3A_50 : i32
    %select_n3A_52 = arith.select %and3A_49, %sub3A_51, %div3A_30 : i32
    %add3A = arith.constant 1 : i32
    %add3A_53 = arith.addi %select_n3A_52, %add3A : i32
    %while3A = arith.constant 0 : i32
    %while3A_54 = arith.constant 0 : i32
    %while3A_55 = arith.subi %add3A_53, %while3A : i32
    %while3A_56 = arith.addi %while3A, %while3A_55 : i32
    %while3A_57 = arith.constant 1 : i32
    %while3A_58 = arith.divsi %while3A_55, %while3A_57 : i32
    %while3A_59 = arith.muli %while3A_58, %while3A_57 : i32
    %while3A_60 = arith.addi %while3A, %while3A_59 : i32
    %while3A_61 = arith.constant 1 : i32
    %while3A_62 = scf.for %while3A_65 = %while3A to %while3A_60 step %while3A_61 iter_args(%while3A_66 = %while3A_54) -> (i32)  : i32 {
      %mul3A_67 = arith.constant 128 : i32
      %mul3A_68 = arith.muli %while3A_65, %mul3A_67 : i32
      %add3A_69 = arith.addi %mul3A_25, %mul3A_68 : i32
      %multiple_of3A = tpu.assume_multiple %add3A_69, 8 : i32
      %iota3A = tpu.iota {dimensions = array<i32: 0>} : vector<128x2048xi32>
      %add3A_70 = vector.broadcast %multiple_of3A : i32 to vector<128x2048xi32>
      %add3A_71 = arith.addi %add3A_70, %iota3A : vector<128x2048xi32>
      %broadcast_in_dim3A = vector.shape_cast %get3A_5 : vector<2048xi32> to vector<1x2048xi32>
      %eq3A_72 = vector.broadcast %broadcast_in_dim3A : vector<1x2048xi32> to vector<128x2048xi32>
      %eq3A_73 = arith.cmpi eq, %add3A_71, %eq3A_72 : vector<128x2048xi32>
      %convert_element_type3A_74 = arith.extui %eq3A_73 : vector<128x2048xi1> to vector<128x2048xi32>
      %convert_element_type3A_75 = arith.sitofp %convert_element_type3A_74 : vector<128x2048xi32> to vector<128x2048xf32>
      %get3A_76 = arith.index_cast %multiple_of3A : i32 to index
      %get3A_77 = arith.constant 0 : index
      %get3A_78 = vector.load %arg3[%get3A_76, %get3A_77] : memref<10128x128xf32, #tpu.memory_space<vmem>>, vector<128x128xf32>
      %dot_general3A = arith.constant dense<0.000000e+00> : vector<128x128xf32>
      %dot_general3A_79 = tpu.matmul %convert_element_type3A_75, %get3A_8, %dot_general3A {dimension_numbers = #tpu.dot_dimension_numbers<[1], [0], [0], [1], [0, 0, 1, 1], [], []>, transpose_lhs_hint = false} : vector<128x2048xf32>, vector<2048x128xf32>, vector<128x128xf32> -> vector<128x128xf32>
      %add3A_80 = arith.addf %get3A_78, %dot_general3A_79 : vector<128x128xf32>
      %swap3A = arith.index_cast %multiple_of3A : i32 to index
      %swap3A_81 = arith.constant 0 : index
      %swap3A_82 = vector.load %arg3[%swap3A, %swap3A_81] : memref<10128x128xf32, #tpu.memory_space<vmem>>, vector<128x128xf32>
      tpu.vector_store %arg3[%swap3A, %swap3A_81], %add3A_80 {strides = array<i32>} : memref<10128x128xf32, #tpu.memory_space<vmem>>, vector<128x128xf32>,
      %while3A_83 = arith.constant 0 : i32
      scf.yield %while3A_83 : i32
    }
    %while3A_63 = arith.constant 1 : i32
    %while3A_64 = scf.for %while3A_65 = %while3A_60 to %while3A_56 step %while3A_63 iter_args(%while3A_66 = %while3A_62) -> (i32)  : i32 {
      %mul3A_67 = arith.constant 128 : i32
      %mul3A_68 = arith.muli %while3A_65, %mul3A_67 : i32
      %add3A_69 = arith.addi %mul3A_25, %mul3A_68 : i32
      %multiple_of3A = tpu.assume_multiple %add3A_69, 8 : i32
      %iota3A = tpu.iota {dimensions = array<i32: 0>} : vector<128x2048xi32>
      %add3A_70 = vector.broadcast %multiple_of3A : i32 to vector<128x2048xi32>
      %add3A_71 = arith.addi %add3A_70, %iota3A : vector<128x2048xi32>
      %broadcast_in_dim3A = vector.shape_cast %get3A_5 : vector<2048xi32> to vector<1x2048xi32>
      %eq3A_72 = vector.broadcast %broadcast_in_dim3A : vector<1x2048xi32> to vector<128x2048xi32>
      %eq3A_73 = arith.cmpi eq, %add3A_71, %eq3A_72 : vector<128x2048xi32>
      %convert_element_type3A_74 = arith.extui %eq3A_73 : vector<128x2048xi1> to vector<128x2048xi32>
      %convert_element_type3A_75 = arith.sitofp %convert_element_type3A_74 : vector<128x2048xi32> to vector<128x2048xf32>
      %get3A_76 = arith.index_cast %multiple_of3A : i32 to index
      %get3A_77 = arith.constant 0 : index
      %get3A_78 = vector.load %arg3[%get3A_76, %get3A_77] : memref<10128x128xf32, #tpu.memory_space<vmem>>, vector<128x128xf32>
      %dot_general3A = arith.constant dense<0.000000e+00> : vector<128x128xf32>
      %dot_general3A_79 = tpu.matmul %convert_element_type3A_75, %get3A_8, %dot_general3A {dimension_numbers = #tpu.dot_dimension_numbers<[1], [0], [0], [1], [0, 0, 1, 1], [], []>, transpose_lhs_hint = false} : vector<128x2048xf32>, vector<2048x128xf32>, vector<128x128xf32> -> vector<128x128xf32>
      %add3A_80 = arith.addf %get3A_78, %dot_general3A_79 : vector<128x128xf32>
      %swap3A = arith.index_cast %multiple_of3A : i32 to index
      %swap3A_81 = arith.constant 0 : index
      %swap3A_82 = vector.load %arg3[%swap3A, %swap3A_81] : memref<10128x128xf32, #tpu.memory_space<vmem>>, vector<128x128xf32>
      tpu.vector_store %arg3[%swap3A, %swap3A_81], %add3A_80 {strides = array<i32>} : memref<10128x128xf32, #tpu.memory_space<vmem>>, vector<128x128xf32>,
      %while3A_83 = arith.constant 0 : i32
      scf.yield %while3A_83 : i32
    }
    return
  }
  func.func @transform_0(%arg0: i32) -> (i32, i32, i32) {
    %c0_i32 = arith.constant 0 : i32
    %c0_i32_0 = arith.constant 0 : i32
    %c0_i32_1 = arith.constant 0 : i32
    return %arg0, %c0_i32, %c0_i32_0 : i32, i32, i32
  }
  func.func @transform_1(%arg0: i32) -> (i32, i32) {
    %c0_i32 = arith.constant 0 : i32
    %c0_i32_0 = arith.constant 0 : i32
    return %arg0, %c0_i32 : i32, i32
  }
  func.func @transform_2(%arg0: i32) -> (i32, i32) {
    %c0_i32 = arith.constant 0 : i32
    %c0_i32_0 = arith.constant 0 : i32
    %c0_i32_1 = arith.constant 0 : i32
    return %c0_i32, %c0_i32_0 : i32, i32
  }
}

module attributes {stable_mosaic.version = 14 : i64} {
  func.func @_mm_body(%arg0: i32, %arg1: memref<2x1000x128xf32, #tpu.memory_space<vmem>>, %arg2: memref<1000x128xf32, #tpu.memory_space<vmem>>, %arg3: memref<128x128xf32, #tpu.memory_space<vmem>>, %arg4: memref<1000x128xf32, #tpu.memory_space<vmem>>) attributes {dimension_semantics = [#tpu.dimension_semantics<arbitrary>], iteration_bounds = array<i64: 10>, scalar_prefetch = 0 : i64, scratch_operands = 0 : i64, tpu.core_type = #tpu.core_type<tc>, window_params = [{transform_indices = @transform_0, window_bounds = array<i64: 2, 1000, 128>}, {transform_indices = @transform_1, window_bounds = array<i64: 1000, 128>}, {pipeline_mode = #tpu.pipeline_mode<synchronous>, transform_indices = @transform_2, window_bounds = array<i64: 128, 128>}, {transform_indices = @transform_3, window_bounds = array<i64: 1000, 128>}]} {
    %get3A = arith.constant 0 : index
    %get3A_0 = arith.constant 0 : index
    %get3A_1 = arith.constant 0 : index
    %get3A_2 = vector.load %arg1[%get3A, %get3A_0, %get3A_1] : memref<2x1000x128xf32, #tpu.memory_space<vmem>>, vector<1x1000x128xf32>
    %get3A_3 = vector.shape_cast %get3A_2 : vector<1x1000x128xf32> to vector<1000x128xf32>
    %get3A_4 = arith.constant 1 : index
    %get3A_5 = arith.constant 0 : index
    %get3A_6 = arith.constant 0 : index
    %get3A_7 = vector.load %arg1[%get3A_4, %get3A_5, %get3A_6] : memref<2x1000x128xf32, #tpu.memory_space<vmem>>, vector<1x1000x128xf32>
    %get3A_8 = vector.shape_cast %get3A_7 : vector<1x1000x128xf32> to vector<1000x128xf32>
    %add3A = arith.addf %get3A_3, %get3A_8 : vector<1000x128xf32>
    %get3A_9 = arith.constant 0 : index
    %get3A_10 = arith.constant 0 : index
    %get3A_11 = vector.load %arg2[%get3A_9, %get3A_10] : memref<1000x128xf32, #tpu.memory_space<vmem>>, vector<1000x128xf32>
    %add3A_12 = arith.addf %add3A, %get3A_11 : vector<1000x128xf32>
    %get3A_13 = arith.constant 0 : index
    %get3A_14 = arith.constant 0 : index
    %get3A_15 = vector.load %arg3[%get3A_13, %get3A_14] : memref<128x128xf32, #tpu.memory_space<vmem>>, vector<128x128xf32>
    %dot_general3A = arith.constant dense<0.000000e+00> : vector<1000x128xf32>
    %dot_general3A_16 = tpu.matmul %add3A_12, %get3A_15, %dot_general3A {dimension_numbers = #tpu.dot_dimension_numbers<[1], [0], [0], [1], [0, 0, 1, 1], [], []>, transpose_lhs_hint = false} : vector<1000x128xf32>, vector<128x128xf32>, vector<1000x128xf32> -> vector<1000x128xf32>
    %swap3A = arith.constant 0 : index
    %swap3A_17 = arith.constant 0 : index
    %swap3A_18 = vector.load %arg4[%swap3A, %swap3A_17] : memref<1000x128xf32, #tpu.memory_space<vmem>>, vector<1000x128xf32>
    tpu.vector_store %arg4[%swap3A, %swap3A_17], %dot_general3A_16 {strides = array<i32>} : memref<1000x128xf32, #tpu.memory_space<vmem>>, vector<1000x128xf32>,
    return
  }
  func.func @transform_0(%arg0: i32) -> (i32, i32, i32) {
    %c0_i32 = arith.constant 0 : i32
    %c0_i32_0 = arith.constant 0 : i32
    %c0_i32_1 = arith.constant 0 : i32
    return %c0_i32, %arg0, %c0_i32_0 : i32, i32, i32
  }
  func.func @transform_1(%arg0: i32) -> (i32, i32) {
    %c0_i32 = arith.constant 0 : i32
    %c0_i32_0 = arith.constant 0 : i32
    return %arg0, %c0_i32 : i32, i32
  }
  func.func @transform_2(%arg0: i32) -> (i32, i32) {
    %c0_i32 = arith.constant 0 : i32
    %c0_i32_0 = arith.constant 0 : i32
    %c0_i32_1 = arith.constant 0 : i32
    return %c0_i32, %c0_i32_0 : i32, i32
  }
  func.func @transform_3(%arg0: i32) -> (i32, i32) {
    %c0_i32 = arith.constant 0 : i32
    %c0_i32_0 = arith.constant 0 : i32
    return %arg0, %c0_i32 : i32, i32
  }
}

</mosaic_0001>

<sc_bundles>
// kernel: kernel.5.cloned.1.call-start
scs
__scs_entry_jumppad:
0x0: {  	(pc) =	sbr.rel $0x88, $3  }
0x1: {  	(tag) =	ssettag $0x0;
	lr =	simm.s32 $0x1  }
0x2: {  	[smem:$0x3F9E] =	sst lr;
	_ =	strace $0xD0000000  }
0x3: {  	_ = 	snop  }
0x4: {  	_ = 	snop  }
0x5: {  	_ = 	snop  }
0x6: {  	_ = 	snop  }
0x7: {  	_ = 	snop  }
__scs_overlays_trampoline_lowered:
0x8: {  	[smem:$0x3FAD] =	sst s0  }
0x9: {  	[smem:$0x3FAE] =	sst s1  }
0xa: {  	[smem:$0x3FAF] =	sst s2  }
0xb: {  	[smem:$0x3FB0] =	sst s3  }
0xc: {  	[smem:$0x3FB1] =	sst s4  }
0xd: {  	[smem:$0x3FB2] =	sst s5  }
0xe: {  	[smem:$0x3FB3] =	sst s6  }
0xf: {  	[smem:$0x3FB4] =	sst s7  }
0x10: {  	[smem:$0x3FB5] =	sst s8  }
0x11: {  	[smem:$0x3FB6] =	sst s9;
	s0 =	simm.s32 @!p0 $0x0  }
0x12: {  	s1 =	sld [smem:$0x3F9C];
	s0 =	simm.s32 @p0 $0x1  }
0x13: {  	[smem:$0x3FB7] =	sst s0;
	s0 =	simm.s32 @!p1 $0x0  }
0x14: {  	s2 =	sld [smem:$0x3F9B];
	s0 =	simm.s32 @p1 $0x1  }
0x15: {  	[smem:$0x3FB8] =	sst s0;
	s0 =	simm.s32 @!p2 $0x0  }
0x16: {  	s3 =	sld [smem:$0x3FDB];
	s0 =	simm.s32 @p2 $0x1  }
0x17: {  	s4 =	simm.s32 $0x1BF5;
	[smem:$0x3FBA] =	sst s0  }
0x18: {  	s0 =	sld [smem:$0x3F9D];
	_ =	swait.ge [sflag:s4], $0x0  }
0x19: {  	s7 =	sld [smem:$0x3F9E]  }
0x1a: {  	s8 =	sadd.s32 $0xFFFFE003, lr  }
0x1b: {  	s9 =	sadd.s32 $0xFFFFFEF7, lr;
	s5 =	simm.s32 $0xFFFFFFFF;
	p2 =	slt.u32 s8, $0xFFFFF086  }
0x1c: {  	p1 =	slt.u32 s9, $0xF7A;
	s5 =	simm.s32 @!p2 $0x0  }
0x1d: {  	s5 =	simm.s32 @p1 $0x1;
	p0 =	seq.s32 s7, s2  }
0x1e: {  	s7 =	smul.u32 @!p0 $0xF7A, s2;
	p2 =	seq.s32 @!p0 s5, $0x0  }
0x1f: {  	s9 =	smul.u32 $0xF7A, s1;
	s8 =	simm.s32 @!p0 $0x1BF5;
	p2 =	por !p2, p0  }
0x20: {  	[sflag:s8] =	ssyncset.s32 @!p0 $0xFFFFF086;
	s6 =	sadd.s32 @!p0 s3, s7;
	s7 =	simm.s32 @!p0 $0x108  }
0x21: {  	s3 =	sadd.s32 s3, s9;
	s6 =	sadd.s32 @!p0 $0x88, s6;
	s7 =	simm.s32 @p2 $0x1082  }
0x22: {  	[simem:s7], [sflag:s8] =	dma.local @!p0 [hbm:s6], $0xF7A  }
0x23: {  	s9 =	sor.u32 $0xD0000000, s2;
	s6 =	simm.s32 $0x108;
	_ =	swait.ge @!p0 [sflag:s8], $0x0  }
0x24: {  	s3 =	sadd.s32 $0x88, s3;
	s6 =	simm.s32 @!p1 $0x1082;
	[sflag:s4] =	ssyncset.s32 $0xFFFFF086  }
0x25: {  	[simem:s6], [sflag:s4] =	dma.local [hbm:s3], $0xF7A  }
0x26: {  	[smem:$0x3F9E] =	sst s1;
	(tag) =	ssettag s2;
	_ =	strace s9  }
0x27: {  	s1 =	sld [smem:$0x3FAE]  }
0x28: {  	s2 =	sld [smem:$0x3FAF]  }
0x29: {  	s4 =	sld [smem:$0x3FB1]  }
0x2a: {  	p0 =	seq.s32 s5, $0x0;
	s5 =	sld [smem:$0x3FB2]  }
0x2b: {  	s6 =	sld [smem:$0x3FB3]  }
0x2c: {  	s7 =	sld [smem:$0x3FB4]  }
0x2d: {  	s3 =	simm.s32 $0x108;
	s8 =	sld [smem:$0x3FB5]  }
0x2e: {  	s3 =	simm.s32 @!p0 $0x1082;
	s9 =	sld [smem:$0x3FB6]  }
0x2f: {  	lr =	sadd.s32 s0, s3;
	s0 =	sld [smem:$0x3FAD]  }
0x30: {  	s3 =	sld [smem:$0x3FB0]  }
0x31: {  	[smem:$0x3FB9] =	sst s10  }
0x32: {  	s10 =	sld [smem:$0x3FB7];
	_ =	sdelay $0x3  }
0x33: {  	p0 =	seq.s32 s10, $0x1;
	s10 =	sld [smem:$0x3FB9];
	_ =	sdelay $0x3  }
0x34: {  	[smem:$0x3FB9] =	sst s10  }
0x35: {  	s10 =	sld [smem:$0x3FB8];
	_ =	sdelay $0x3  }
0x36: {  	p1 =	seq.s32 s10, $0x1;
	s10 =	sld [smem:$0x3FB9];
	_ =	sdelay $0x3  }
0x37: {  	[smem:$0x3FB9] =	sst s10  }
0x38: {  	s10 =	sld [smem:$0x3FBA]  }
0x39: {  	_ = 	snop;
	(pc) =	sbr.ind lr, $3  }
0x3a: {  	_ = 	snop  }
0x3b: {  	_ = 	snop  }
0x3c: {  	p2 =	seq.s32 s10, $0x1;
	s10 =	sld [smem:$0x3FB9]  }
0x3d: {  	_ =	shalt  }
0x3e: {  	_ =	shalt  }
0x3f: {  	_ =	shalt  }
0x40: {  	_ =	shalt  }
0x41: {  	_ =	shalt  }
0x42: {  	_ =	shalt  }
0x43: {  	_ =	shalt  }
0x44: {  	_ =	shalt  }
0x45: {  	_ =	shalt  }
0x46: {  	_ =	shalt  }
0x47: {  	_ =	shalt  }
0x48: {  	_ =	shalt  }
0x49: {  	_ =	shalt  }
0x4a: {  	_ =	shalt  }
0x4b: {  	_ =	shalt  }
0x4c: {  	_ =	shalt  }
0x4d: {  	_ =	shalt  }
0x4e: {  	_ =	shalt  }
0x4f: {  	_ =	shalt  }
0x50: {  	_ =	shalt  }
0x51: {  	_ =	shalt  }
0x52: {  	_ =	shalt  }
0x53: {  	_ =	shalt  }
0x54: {  	_ =	shalt  }
0x55: {  	_ =	shalt  }
0x56: {  	_ =	shalt  }
0x57: {  	_ =	shalt  }
0x58: {  	_ =	shalt  }
0x59: {  	_ =	shalt  }
0x5a: {  	_ =	shalt  }
0x5b: {  	_ =	shalt  }
0x5c: {  	_ =	shalt  }
0x5d: {  	_ =	shalt  }
0x5e: {  	_ =	shalt  }
0x5f: {  	_ =	shalt  }
0x60: {  	_ =	shalt  }
0x61: {  	_ =	shalt  }
0x62: {  	_ =	shalt  }
0x63: {  	_ =	shalt  }
0x64: {  	_ =	shalt  }
0x65: {  	_ =	shalt  }
0x66: {  	_ =	shalt  }
0x67: {  	_ =	shalt  }
0x68: {  	_ =	shalt  }
0x69: {  	_ =	shalt  }
0x6a: {  	_ =	shalt  }
0x6b: {  	_ =	shalt  }
0x6c: {  	_ =	shalt  }
0x6d: {  	_ =	shalt  }
0x6e: {  	_ =	shalt  }
0x6f: {  	_ =	shalt  }
0x70: {  	_ =	shalt  }
0x71: {  	_ =	shalt  }
0x72: {  	_ =	shalt  }
0x73: {  	_ =	shalt  }
0x74: {  	_ =	shalt  }
0x75: {  	_ =	shalt  }
0x76: {  	_ =	shalt  }
0x77: {  	_ =	shalt  }
0x78: {  	_ =	shalt  }
0x79: {  	_ =	shalt  }
0x7a: {  	_ =	shalt  }
0x7b: {  	_ =	shalt  }
0x7c: {  	_ =	shalt  }
0x7d: {  	_ =	shalt  }
0x7e: {  	_ =	shalt  }
0x7f: {  	_ =	shalt  }
0x80: {  	_ =	shalt  }
0x81: {  	_ =	shalt  }
0x82: {  	_ =	shalt  }
0x83: {  	_ =	shalt  }
0x84: {  	_ =	shalt  }
0x85: {  	_ =	shalt  }
0x86: {  	_ =	shalt  }
0x87: {  	_ =	shalt  }
.Lfunc_end0:
.L_simem_size_0:
called_computation_lowered:
.L_overlay_start_0:
0x88: {  	s2 =	sld [smem:$0x3FD9]  }
0x89: {  	s3 =	sld [smem:$0x3FFE];
	_ =	sdelay $0x1  }
0x8a: {  	s1 =	srdreg.scid  }
0x8b: {  	s0 =	sand.u32 $0x1, s1  }
0x8c: {  	s17 =	sshll.u32 s0, $0xA;
	s2 =	sadd.s32 s3, s2  }
0x8d: {  	s2 =	sadd.s32 s2, s17  }
0x8e: {  	[smem:$0x3FC5] =	sst s2  }
0x8f: {  	_ = 	snop  }
0x90: {  	s2 =	sld [smem:$0x3FC9]  }
0x91: {  	s18 =	sld [smem:$0x3FD0];
	(tm) =	ssettm $0x1  }
0x92: {  	s4 =	sld [smem:$0x3FFB];
	_ =	sdelay $0x3  }
0x93: {  	_ =	strace s4  }
0x94: {  	s4 =	sld [smem:$0x3FFC];
	_ =	sdelay $0x3  }
0x95: {  	_ =	strace s4  }
0x96: {  	s4 =	sld [smem:$0x3FFD];
	_ =	sdelay $0x3  }
0x97: {  	_ =	strace s4  }
0x98: {  	_ =	strace $0x8FFFFFFF  }
0x99: {  	s19 =	sld [smem:$0x3FDB];
	_ =	sdelay $0x1  }
0x9a: {  	s5 =	simm.s32 $_scs_section_size  }
0x9b: {  	s6 =	simm.s32 $_size__tile_overlayer_lowered;
	s7 =	simm.s32 $_tile_overlayer_lowered  }
0x9c: {  	s22 =	simm.s32 $0x1BFF;
	s21 =	sshll.u32 s7, $0x1;
	s4 =	sadd.s32 s5, s19  }
0x9d: {  	s8 =	simm.s32 $0x0;
	s20 =	sshll.u32 s6, $0x1;
	s6 =	sadd.s32 s21, s4  }
0x9e: {  	[timem:s8], [sflag:s22] =	dma.local [hbm:s6], s20  }
0x9f: {  	_ =	swait.ge [sflag:s22], s20  }
0xa0: {  	s5 =	ssub.s32 $0x0, s20;
	[sflag:s22] =	ssyncset.done $0x0  }
0xa1: {  	[sflag:s22] =	ssyncadd.s32 s5;
	_ =	sdelay $0x1  }
0xa2: {  	s23 =	simm.s32 $0x1B8B  }
0xa3: {  	_ =	swait.ge [sflag:s23], $0x1  }
0xa4: {  	[sflag:s23] =	ssyncset.done $0x0  }
0xa5: {  	s25 =	simm.s32 $0x1B8E;
	s24 =	sld [smem:$0x3FFE];
	[sflag:s23] =	ssyncadd.s32 $0xFFFFFFFF  }
0xa6: {  	s26 =	simm.s32 $execute0_lowered;
	[smem:$0x3FD2] =	sst s25  }
0xa7: {  	s6 =	sshll.u32 s26, $0x1;
	_ =	strace $0x80000046;
	[dreg:$0x1] =	wrdreg $0xFFFFFFFF  }
0xa8: {  	s28 =	simm.s32 $_size_execute0_lowered;
	s4 =	sadd.s32 s4, s6;
	[dreg:$0x0] =	wrdreg $0x0  }
0xa9: {  	s6 =	sshll.u32 s28, $0x1;
	[dreg:$0x2] =	wrdreg s4  }
0xaa: {  	[dreg:$0x3] =	wrdreg s6  }
0xab: {  	[dreg:$0x4] =	wrdreg $0xC0  }
0xac: {  	_ =	task [dreg:s8], $0x5FFFF  }
0xad: {  	[dreg:$0x1] =	wrdreg $0xFFFFFFFF  }
0xae: {  	[dreg:$0x0] =	wrdreg $0x60  }
0xaf: {  	[dreg:$0x2] =	wrdreg s2  }
0xb0: {  	[dreg:$0x3] =	wrdreg s24  }
0xb1: {  	[dreg:$0x4] =	wrdreg s18  }
0xb2: {  	[dreg:$0x5] =	wrdreg $0x0  }
0xb3: {  	[dreg:$0x6] =	wrdreg $0x9  }
0xb4: {  	_ =	task.clear_ibuf [dreg:s8], $0x7FFFF;
	_ =	strace $0x90000046  }
0xb5: {  	s29 =	simm.s32 $0x9;
	_ =	strace $0x80000048  }
0xb6: {  	_ =	swait.ge [sflag:s29], $0x1  }
0xb7: {  	[sflag:s29] =	ssyncadd.s32 $0xFFFFFFFF  }
0xb8: {  	_ =	strace $0x90000048  }
0xb9: {  	_ =	sfence  }
0xba: {  	s30 =	sld [smem:$0x0];
	_ =	sdelay $0x2  }
0xbb: {  	s31 =	sshll.u32 s1, $0xD;
	s1 =	sshrl.u32 s1, $0x2  }
0xbc: {  	s3 =	sand.u32 $0x4000, s31;
	s1 =	sadd.s32 s1, s30  }
0xbd: {  	s0 =	sor.u32 s3, s0;
	s1 =	sshll.u32 s1, $0x11  }
0xbe: {  	s0 =	sor.u32 s1, s0  }
0xbf: {  	s0 =	sadd.s32 $0x8F2B, s0  }
0xc0: {  	[sflag:s0] =	ssyncadd.remote.s32 $0x1  }
0xc1: {  	_ =	sfence.sel $0xFFFF  }
0xc2: {  	[dreg:$0x0] =	wrdreg $0xFFFFFFFF;
	(pc) =	sbr.abs _section_cstart, $3  }
0xc3: {  	[dreg:$0x1] =	wrdreg $0xFFFFFFFF  }
0xc4: {  	_ =	task.clear_ibuf [dreg:s8], $0x2FFFF;
	_ =	strace $0x9FFFFFFF  }
0xc5: {  	(tm) =	ssettm $0x7FFFFFFF  }
tec
execute0_lowered:
.L_overlay_start_1:
0x0: {  	(tag) =	ssettag $0x1  }
0x1: {  	s0 =	rddreg [dreg:$0x0]  }
0x2: {  	s1 =	rddreg [dreg:$0x1];
	s2 =	srdreg.scid  }
0x3: {  	s5 =	rddreg [dreg:$0x2];
	s21 =	stileid.u32  }
0x4: {  	s3 =	simm.s32 $0x0;
	s6 =	sand.u32 $0x1, s2;
	s2 =	rddreg [dreg:$0x3]  }
0x5: {  	[smem:$0x7FF] =	sst s3;
	s28 =	smul.u32 $0x17800, s21  }
0x6: {  	s8 =	sadd.s32 $0x800, s1;
	s4 =	sshll.u32 s6, $0x4;
	s15 =	smul.u32 $0x138800, s6  }
0x7: {  	s1 =	sadd.s32 $0x6600, s1;
	s25 =	smul.u32 $0x178000, s6;
	s4 =	sor.u32 s21, s4  }
0x8: {  	s22 =	sshll.u32 s21, $0x6;
	p0 =	sne.s32 s21, $0xF;
	s7 =	smul.u32 $0x2F, s4  }
0x9: {  	_ =	strace $0x80000047;
	s10 =	ssub.s32 $0x2, s6;
	s9 =	smul.u32 $0xBC000, s4  }
0xa: {  	s24 =	sadd.s32 $0x138000, s2;
	s12 =	sshrl.u32 s10, $0x1;
	s11 =	smul.u32 $0x1780, s4  }
0xb: {  	[dreg:$0xb] =	wrdreg s24;
	s14 =	smul.u32 $0x380, s4;
	s16 =	ssub.s32 s10, s12  }
0xc: {  	s26 =	sshrl.u32 s15, $0x3;
	s16 =	smax.u32 s16, $0x1;
	s13 =	ssub.s32 $0x5C4, s7  }
0xd: {  	s9 =	sshrl.u32 s9, $0x3;
	s30 =	sand.u32 $0x3FC00, s11;
	s31 =	sand.u32 $0x380, s14  }
0xe: {  	s7 =	sadd.s32 $0x1, s7;
	s14 =	smul.u32 $0x13800, s21;
	s4 =	smin.u32 s13, $0x2F  }
0xf: {  	s9 =	sadd.s32 s0, s9;
	s11 =	sor.u32 s31, s30;
	s12 =	sshll.u32 s7, $0xB  }
0x10: {  	s13 =	smul.u32 $0x4E000, s21;
	s7 =	sshll.u32 s7, $0x4;
	s9 =	sadd.s32 $0x200000, s9  }
0x11: {  	s10 =	sadd.s32 s12, s0;
	s7 =	sadd.s32 s8, s7;
	s19 =	sshrl.u32 s14, $0x3  }
0x12: {  	s23 =	sadd.s32 s14, s15;
	s0 =	sadd.s32 s25, s0;
	s25 =	simm.s32 $0x7  }
0x13: {  	[dreg:$0x5] =	wrdreg s9;
	s9 =	sshrl.u32 s11, $0x3;
	s17 =	sadd.s32 $0x200000, s10  }
0x14: {  	[dreg:$0x8] =	wrdreg s7;
	s18 =	sshrl.u32 s13, $0x2;
	s20 =	sadd.s32 s5, s19  }
0x15: {  	s11 =	sor.u32 $0x1C07, s22;
	s5 =	sadd.s32 $0x27000, s5;
	[dreg:$0x7] =	wrdreg s17  }
0x16: {  	s0 =	sadd.s32 s28, s0;
	[dreg:$0xa] =	wrdreg s20;
	s17 =	smul.u32 $0x2F0, s6  }
0x17: {  	s7 =	sadd.s32 s18, s2;
	s18 =	smul.u32 $0x2F, s21;
	[dreg:$0xc] =	wrdreg s5  }
0x18: {  	s9 =	sadd.s32 s8, s9;
	[dreg:$0x9] =	wrdreg s7;
	s7 =	sshrl.u32 s23, $0x3  }
0x19: {  	[dreg:$0x6] =	wrdreg s9;
	s14 =	sadd.s32 s1, s7;
	s29 =	sadd.s32 s18, s17  }
0x1a: {  	s1 =	sadd.s32 s1, s26;
	s17 =	sadd.s32 $0x202000, s0;
	s30 =	sshll.u32 s29, $0x4  }
0x1b: {  	s26 =	simm.s32 $0x0;
	s15 =	sadd.s32 $0x27000, s1;
	s31 =	sadd.s32 s30, s8  }
0x1c: {  	s24 =	sadd.s32 $0x40, s31;
	s19 =	sadd.s32 $0x30, s31;
	s20 =	sadd.s32 $0x20, s31  }
.LBB2_1:
0x1d: {  	s0 =	rddreg [dreg:$0x5]  }
0x1e: {  	s9 =	rddreg [dreg:$0x6]  }
0x1f: {  	s1 =	simm.s32 $0x13880;
	s12 =	rddreg [dreg:$0x7]  }
0x20: {  	[tilespmem:s1], [sflag:$0x1] =	stream.linear.gather [hbm4b:s0+s3], $0x4000, $0x38;
	[tilespmem:$0x1FA00] =	vst v63  }
0x21: {  	s10 =	simm.s32 $0x1F880;
	s18 =	rddreg [dreg:$0x8]  }
0x22: {  	[tilespmem:s10], [sflag:$0x1] =	stream.linear.gather [hbm4b:s9+s3], $0x80, $0x38;
	[tilespmem:$0x1FA00] =	vst v63  }
0x23: {  	s13 =	simm.s32 $0x17880;
	s22 =	rddreg [dreg:$0x9]  }
0x24: {  	[tilespmem:s13], [sflag:$0x2] =	stream.linear.gather [hbm4b:s12+s3], $0x4000, $0x38;
	[tilespmem:$0x1FA00] =	vst v63  }
0x25: {  	s21 =	simm.s32 $0x1F900;
	s23 =	rddreg [dreg:$0xa];
	s28 =	sshrl.u32 s22, $0x3  }
0x26: {  	[tilespmem:s21], [sflag:$0x2] =	stream.linear.gather [hbm4b:s18+s3], $0x80, $0x38;
	[tilespmem:$0x1FA00] =	vst v63  }
0x27: {  	[spmem:s28], [sflag:s11] =	dma.local [hbm:s23], $0x2700  }
0x28: {  	_ =	swait.ge [sflag:s25], $0x2700  }
0x29: {  	[sflag:s25] =	ssyncset.done $0x0;
	s0 =	rddreg [dreg:$0xb]  }
0x2a: {  	[sflag:s25] =	ssyncadd.s32 $0xFFFFD900;
	s29 =	sshrl.u32 @!p0 s0, $0x3;
	s0 =	rddreg [dreg:$0xc]  }
0x2b: {  	[spmem:s29], [sflag:s11] =	dma.local @!p0 [hbm:s0], $0x100  }
0x2c: {  	s0 =	simm.s32 @!p0 $0x7  }
0x2d: {  	_ =	swait.ge @!p0 [sflag:s0], $0x100  }
0x2e: {  	p1 =	sle.u32 s4, $0x0;
	[sflag:s0] =	ssyncset.done @!p0 $0x0  }
0x2f: {  	p1 =	por p1, p1;
	[sflag:s0] =	ssyncadd.s32 @!p0 $0xFFFFFF00  }
0x30: {  	s0 =	simm.s32 @!p1 $0x1;
	[bflag:$0x0] =	sbarrier.arrive $0xFFFF  }
0x31: {  	_ =	swait.ge @!p1 [sflag:s0], $0x4000  }
0x32: {  	[sflag:s0] =	ssyncset.done @!p1 $0x0  }
0x33: {  	p2 =	por $0x1, $0x1;
	[sflag:s0] =	ssyncadd.s32 @!p1 $0xFFFFC000  }
0x34: {  	p3 =	slt.u32 @!p2 s4, $0x0;
	_ =	swait.ge @!p1 [sflag:s0], $0x80  }
0x35: {  	s1 =	simm.s32 @!p1 $0x13880;
	s5 =	simm.s32 @!p1 $0x1F880;
	[sflag:s0] =	ssyncset.done @!p1 $0x0  }
0x36: {  	p4 =	por p3, p2;
	[sflag:s0] =	ssyncadd.s32 @!p1 $0xFFFFFF80;
	s0 =	simm.s32 @!p1 $0x80  }
0x37: {  	[spmem:s2] =	stream.indirect.scatter.add.f32 @!p1 [tilespmem:s1], [sflag:$0x4], $0x80, s5, s0, $0xb8;
	[tilespmem:$0x1FA00] =	vst v63  }
0x38: {  	s0 =	simm.s32 @!p4 $0x6  }
0x39: {  	p3 =	sle.u32 s4, $0x2;
	_ =	swait.ge @!p4 [sflag:s0], $0x4000  }
0x3a: {  	p2 =	sle.u32 s4, $0x1;
	s1 =	sadd.s32 @!p3 $0xFFFFF000, s17;
	[sflag:s0] =	ssyncset.done @!p4 $0x0  }
0x3b: {  	s5 =	simm.s32 @!p3 $0x1B880;
	[sflag:s0] =	ssyncadd.s32 @!p4 $0xFFFFC000;
	s0 =	simm.s32 @!p3 $0x0  }
0x3c: {  	[tilespmem:s5], [sflag:$0x3] =	stream.linear.gather @!p3 [hbm4b:s1+s0], $0x4000, $0x38;
	[tilespmem:$0x1FA00] =	vst v63  }
0x3d: {  	s6 =	simm.s32 @!p2 $0x2;
	s1 =	simm.s32 @!p3 $0x1F980  }
0x3e: {  	[tilespmem:s1], [sflag:$0x3] =	stream.linear.gather @!p3 [hbm4b:s20+s0], $0x80, $0x38;
	[tilespmem:$0x1FA00] =	vst v63  }
0x3f: {  	_ =	swait.ge @!p2 [sflag:s6], $0x4000  }
0x40: {  	[sflag:s6] =	ssyncset.done @!p2 $0x0  }
0x41: {  	[sflag:s6] =	ssyncadd.s32 @!p2 $0xFFFFC000  }
0x42: {  	_ =	swait.ge @!p2 [sflag:s6], $0x80  }
0x43: {  	s7 =	simm.s32 @!p2 $0x80;
	s8 =	simm.s32 @!p2 $0x1F900;
	[sflag:s6] =	ssyncset.done @!p2 $0x0  }
0x44: {  	s0 =	simm.s32 @!p2 $0x17880;
	[sflag:s6] =	ssyncadd.s32 @!p2 $0xFFFFFF80;
	s6 =	simm.s32 @!p1 $0x4  }
0x45: {  	[spmem:s2] =	stream.indirect.scatter.add.f32 @!p2 [tilespmem:s0], [sflag:$0x5], $0x80, s8, s7, $0xb8;
	[tilespmem:$0x1FA00] =	vst v63  }
0x46: {  	p4 =	sle.u32 s4, $0x3;
	_ =	swait.ge @!p1 [sflag:s6], $0x4000  }
0x47: {  	s0 =	sadd.s32 @!p4 $0xFFFFF800, s17;
	[sflag:s6] =	ssyncset.done @!p1 $0x0  }
0x48: {  	s7 =	simm.s32 @!p4 $0x13880;
	[sflag:s6] =	ssyncadd.s32 @!p1 $0xFFFFC000;
	s6 =	simm.s32 @!p4 $0x0  }
0x49: {  	[tilespmem:s7], [sflag:$0x1] =	stream.linear.gather @!p4 [hbm4b:s0+s6], $0x4000, $0x38;
	[tilespmem:$0x1FA00] =	vst v63  }
0x4a: {  	s0 =	simm.s32 @!p4 $0x1F880;
	s7 =	simm.s32 @!p3 $0x3  }
0x4b: {  	[tilespmem:s0], [sflag:$0x1] =	stream.linear.gather @!p4 [hbm4b:s19+s6], $0x80, $0x38;
	[tilespmem:$0x1FA00] =	vst v63  }
0x4c: {  	_ =	swait.ge @!p3 [sflag:s7], $0x4000  }
0x4d: {  	[sflag:s7] =	ssyncset.done @!p3 $0x0  }
0x4e: {  	s30 =	simm.s32 $0x3;
	[sflag:s7] =	ssyncadd.s32 @!p3 $0xFFFFC000  }
0x4f: {  	p6 =	sle.u32 s4, $0x3;
	p5 =	sle.u32 s4, $0x4;
	_ =	swait.ge @!p3 [sflag:s7], $0x80  }
0x50: {  	s31 =	sadd.s32 $0x30, s24;
	s22 =	sadd.s32 $0x30, s20;
	[sflag:s7] =	ssyncset.done @!p3 $0x0  }
0x51: {  	s0 =	simm.s32 @!p3 $0x80;
	s6 =	simm.s32 @!p2 $0x5;
	[sflag:s7] =	ssyncadd.s32 @!p3 $0xFFFFFF80  }
0x52: {  	[spmem:s2] =	stream.indirect.scatter.add.f32 @!p3 [tilespmem:s5], [sflag:$0x6], $0x80, s1, s0, $0xb8;
	[tilespmem:$0x1FA00] =	vst v63  }
0x53: {  	s18 =	smov.u32 s24;
	s21 =	simm.s32 $0x6;
	_ =	swait.ge @!p2 [sflag:s6], $0x4000  }
0x54: {  	s23 =	simm.s32 $0x6;
	s8 =	simm.s32 @!p5 $0x1F900;
	[sflag:s6] =	ssyncset.done @!p2 $0x0  }
0x55: {  	s7 =	simm.s32 @!p5 $0x0;
	s0 =	simm.s32 @!p5 $0x17880;
	[sflag:s6] =	ssyncadd.s32 @!p2 $0xFFFFC000  }
0x56: {  	[tilespmem:s0], [sflag:$0x2] =	stream.linear.gather @!p5 [hbm4b:s17+s7], $0x4000, $0x38;
	[tilespmem:$0x1FA00] =	vst v63  }
0x57: {  	p1 =	por p6, p6;
	s1 =	sadd.s32 $0x30, s19;
	s0 =	sadd.s32 $0x1800, s17  }
.LBB2_2:
0x58: {  	p3 =	sge.u32 s23, s4;
	s9 =	simm.s32 @!p1 $0x1;
	s6 =	smov.u32 s30  }
0x59: {  	s30 =	smov.u32 s23;
	s23 =	sadd.s32 $0x3, s23;
	s5 =	smov.u32 s0  }
0x5a: {  	[tilespmem:s8], [sflag:$0x2] =	stream.linear.gather @!p5 [hbm4b:s18+s7], $0x80, $0x38;
	[tilespmem:$0x1FA00] =	vst v63  }
0x5b: {  	p2 =	sne.s32 s23, $0x33;
	s18 =	smov.u32 s31;
	_ =	swait.ge @!p1 [sflag:s9], $0x4000  }
0x5c: {  	[sflag:s9] =	ssyncset.done @!p1 $0x0  }
0x5d: {  	[sflag:s9] =	ssyncadd.s32 @!p1 $0xFFFFC000  }
0x5e: {  	s7 =	simm.s32 @!p1 $0x13880;
	p4 =	seq.s32 s6, $0x0;
	_ =	swait.ge @!p1 [sflag:s9], $0x80  }
0x5f: {  	s8 =	simm.s32 @!p1 $0x1F880;
	p5 =	sgt.u32 @!p4 s6, s4;
	[sflag:s9] =	ssyncset.done @!p1 $0x0  }
0x60: {  	p6 =	por p5, p4;
	[sflag:s9] =	ssyncadd.s32 @!p1 $0xFFFFFF80;
	s9 =	simm.s32 @!p1 $0x80  }
0x61: {  	[spmem:s2] =	stream.indirect.scatter.add.f32 @!p1 [tilespmem:s7], [sflag:$0x4], $0x80, s8, s9, $0xb8;
	[tilespmem:$0x1FA00] =	vst v63  }
0x62: {  	s7 =	simm.s32 @!p6 $0x6;
	s8 =	sadd.s32 $0x2, s6  }
0x63: {  	p5 =	sge.u32 s8, s4;
	s8 =	sadd.s32 $0x1, s6;
	_ =	swait.ge @!p6 [sflag:s7], $0x4000  }
0x64: {  	s9 =	sadd.s32 @!p5 $0xFFFFF000, s0;
	p4 =	sge.u32 s8, s4;
	[sflag:s7] =	ssyncset.done @!p6 $0x0  }
0x65: {  	s8 =	simm.s32 @!p5 $0x0;
	[sflag:s7] =	ssyncadd.s32 @!p6 $0xFFFFC000;
	s7 =	simm.s32 @!p5 $0x1B880  }
0x66: {  	[tilespmem:s7], [sflag:$0x3] =	stream.linear.gather @!p5 [hbm4b:s9+s8], $0x4000, $0x38;
	[tilespmem:$0x1FA00] =	vst v63  }
0x67: {  	s10 =	simm.s32 @!p4 $0x2;
	s9 =	simm.s32 @!p5 $0x1F980  }
0x68: {  	[tilespmem:s9], [sflag:$0x3] =	stream.linear.gather @!p5 [hbm4b:s22+s8], $0x80, $0x38;
	[tilespmem:$0x1FA00] =	vst v63  }
0x69: {  	_ =	swait.ge @!p4 [sflag:s10], $0x4000  }
0x6a: {  	[sflag:s10] =	ssyncset.done @!p4 $0x0  }
0x6b: {  	[sflag:s10] =	ssyncadd.s32 @!p4 $0xFFFFC000  }
0x6c: {  	s8 =	simm.s32 @!p4 $0x17880;
	_ =	swait.ge @!p4 [sflag:s10], $0x80  }
0x6d: {  	s12 =	simm.s32 @!p4 $0x80;
	s13 =	simm.s32 @!p4 $0x1F900;
	[sflag:s10] =	ssyncset.done @!p4 $0x0  }
0x6e: {  	[sflag:s10] =	ssyncadd.s32 @!p4 $0xFFFFFF80;
	s10 =	simm.s32 @!p1 $0x4  }
0x6f: {  	[spmem:s2] =	stream.indirect.scatter.add.f32 @!p4 [tilespmem:s8], [sflag:$0x5], $0x80, s13, s12, $0xb8;
	[tilespmem:$0x1FA00] =	vst v63  }
0x70: {  	p6 =	sge.u32 s21, s4;
	s21 =	smov.u32 s23;
	_ =	swait.ge @!p1 [sflag:s10], $0x4000  }
0x71: {  	s8 =	sadd.s32 @!p6 $0xFFFFF800, s0;
	s12 =	simm.s32 @!p6 $0x13880;
	[sflag:s10] =	ssyncset.done @!p1 $0x0  }
0x72: {  	s13 =	simm.s32 @!p6 $0x1F880;
	[sflag:s10] =	ssyncadd.s32 @!p1 $0xFFFFC000;
	s10 =	simm.s32 @!p6 $0x0  }
0x73: {  	[tilespmem:s12], [sflag:$0x1] =	stream.linear.gather @!p6 [hbm4b:s8+s10], $0x4000, $0x38;
	[tilespmem:$0x1FA00] =	vst v63  }
0x74: {  	p1 =	por p3, p3;
	s8 =	simm.s32 @!p5 $0x3  }
0x75: {  	[tilespmem:s13], [sflag:$0x1] =	stream.linear.gather @!p6 [hbm4b:s1+s10], $0x80, $0x38;
	[tilespmem:$0x1FA00] =	vst v63  }
0x76: {  	_ =	swait.ge @!p5 [sflag:s8], $0x4000  }
0x77: {  	[sflag:s8] =	ssyncset.done @!p5 $0x0  }
0x78: {  	[sflag:s8] =	ssyncadd.s32 @!p5 $0xFFFFC000  }
0x79: {  	s22 =	sadd.s32 $0x30, s22;
	_ =	swait.ge @!p5 [sflag:s8], $0x80  }
0x7a: {  	s10 =	simm.s32 @!p5 $0x80;
	s1 =	sadd.s32 $0x30, s1;
	[sflag:s8] =	ssyncset.done @!p5 $0x0  }
0x7b: {  	s6 =	sadd.s32 $0x4, s6;
	[sflag:s8] =	ssyncadd.s32 @!p5 $0xFFFFFF80;
	s8 =	simm.s32 @!p4 $0x5  }
0x7c: {  	[spmem:s2] =	stream.indirect.scatter.add.f32 @!p5 [tilespmem:s7], [sflag:$0x6], $0x80, s9, s10, $0xb8;
	[tilespmem:$0x1FA00] =	vst v63  }
.Ltmp0:
0x7d: {  	_ = 	snop;
	(pc) =	sbr.rel @p2 .LBB2_2-.Ltmp0, $4  }
0x7e: {  	s31 =	sadd.s32 $0x30, s31;
	p5 =	sge.u32 s6, s4;
	_ =	swait.ge @!p4 [sflag:s8], $0x4000  }
0x7f: {  	s7 =	simm.s32 @!p5 $0x0;
	s6 =	simm.s32 @!p5 $0x17880;
	[sflag:s8] =	ssyncset.done @!p4 $0x0  }
0x80: {  	s0 =	sadd.s32 $0x1800, s0;
	[sflag:s8] =	ssyncadd.s32 @!p4 $0xFFFFC000;
	s8 =	simm.s32 @!p5 $0x1F900  }
0x81: {  	[tilespmem:s6], [sflag:$0x2] =	stream.linear.gather @!p5 [hbm4b:s5+s7], $0x4000, $0x38;
	[tilespmem:$0x1FA00] =	vst v63  }
0x82: {  	s5 =	simm.s32 @!p1 $0x1  }
0x83: {  	[tilespmem:s8], [sflag:$0x2] =	stream.linear.gather @!p5 [hbm4b:s18+s7], $0x80, $0x38;
	[tilespmem:$0x1FA00] =	vst v63  }
0x84: {  	_ =	swait.ge @!p1 [sflag:s5], $0x4000  }
0x85: {  	[sflag:s5] =	ssyncset.done @!p1 $0x0  }
0x86: {  	[sflag:s5] =	ssyncadd.s32 @!p1 $0xFFFFC000  }
0x87: {  	s6 =	simm.s32 @!p1 $0x13880;
	p2 =	seq.s32 s30, $0x0;
	_ =	swait.ge @!p1 [sflag:s5], $0x80  }
0x88: {  	s7 =	simm.s32 @!p1 $0x1F880;
	p3 =	sgt.u32 @!p2 s30, s4;
	[sflag:s5] =	ssyncset.done @!p1 $0x0  }
0x89: {  	p4 =	por p3, p2;
	[sflag:s5] =	ssyncadd.s32 @!p1 $0xFFFFFF80;
	s5 =	simm.s32 @!p1 $0x80  }
0x8a: {  	[spmem:s2] =	stream.indirect.scatter.add.f32 @!p1 [tilespmem:s6], [sflag:$0x4], $0x80, s7, s5, $0xb8;
	[tilespmem:$0x1FA00] =	vst v63  }
0x8b: {  	s18 =	sadd.s32 $0x2, s30;
	s5 =	simm.s32 @!p4 $0x6  }
0x8c: {  	s23 =	sadd.s32 $0x1, s30;
	p3 =	sge.u32 s18, s4;
	_ =	swait.ge @!p4 [sflag:s5], $0x4000  }
0x8d: {  	p2 =	sge.u32 s23, s4;
	s7 =	sadd.s32 @!p3 $0xFFFFF000, s0;
	[sflag:s5] =	ssyncset.done @!p4 $0x0  }
0x8e: {  	s6 =	simm.s32 @!p3 $0x1B880;
	[sflag:s5] =	ssyncadd.s32 @!p4 $0xFFFFC000;
	s5 =	simm.s32 @!p3 $0x0  }
0x8f: {  	[tilespmem:s6], [sflag:$0x3] =	stream.linear.gather @!p3 [hbm4b:s7+s5], $0x4000, $0x38;
	[tilespmem:$0x1FA00] =	vst v63  }
0x90: {  	s8 =	simm.s32 @!p2 $0x2;
	s7 =	simm.s32 @!p3 $0x1F980  }
0x91: {  	[tilespmem:s7], [sflag:$0x3] =	stream.linear.gather @!p3 [hbm4b:s22+s5], $0x80, $0x38;
	[tilespmem:$0x1FA00] =	vst v63  }
0x92: {  	_ =	swait.ge @!p2 [sflag:s8], $0x4000  }
0x93: {  	[sflag:s8] =	ssyncset.done @!p2 $0x0  }
0x94: {  	[sflag:s8] =	ssyncadd.s32 @!p2 $0xFFFFC000  }
0x95: {  	_ =	swait.ge @!p2 [sflag:s8], $0x80  }
0x96: {  	s9 =	simm.s32 @!p2 $0x80;
	s10 =	simm.s32 @!p2 $0x1F900;
	[sflag:s8] =	ssyncset.done @!p2 $0x0  }
0x97: {  	s5 =	simm.s32 @!p2 $0x17880;
	[sflag:s8] =	ssyncadd.s32 @!p2 $0xFFFFFF80;
	s8 =	simm.s32 @!p1 $0x4  }
0x98: {  	[spmem:s2] =	stream.indirect.scatter.add.f32 @!p2 [tilespmem:s5], [sflag:$0x5], $0x80, s10, s9, $0xb8;
	[tilespmem:$0x1FA00] =	vst v63  }
0x99: {  	p4 =	sge.u32 s21, s4;
	_ =	swait.ge @!p1 [sflag:s8], $0x4000  }
0x9a: {  	s5 =	sadd.s32 @!p4 $0xFFFFF800, s0;
	[sflag:s8] =	ssyncset.done @!p1 $0x0  }
0x9b: {  	s9 =	simm.s32 @!p4 $0x13880;
	[sflag:s8] =	ssyncadd.s32 @!p1 $0xFFFFC000;
	s8 =	simm.s32 @!p4 $0x0  }
0x9c: {  	[tilespmem:s9], [sflag:$0x1] =	stream.linear.gather @!p4 [hbm4b:s5+s8], $0x4000, $0x38;
	[tilespmem:$0x1FA00] =	vst v63  }
0x9d: {  	s5 =	simm.s32 @!p4 $0x1F880;
	s9 =	simm.s32 @!p3 $0x3  }
0x9e: {  	[tilespmem:s5], [sflag:$0x1] =	stream.linear.gather @!p4 [hbm4b:s1+s8], $0x80, $0x38;
	[tilespmem:$0x1FA00] =	vst v63  }
0x9f: {  	_ =	swait.ge @!p3 [sflag:s9], $0x4000  }
0xa0: {  	[sflag:s9] =	ssyncset.done @!p3 $0x0  }
0xa1: {  	[sflag:s9] =	ssyncadd.s32 @!p3 $0xFFFFC000  }
0xa2: {  	_ =	swait.ge @!p3 [sflag:s9], $0x80  }
0xa3: {  	[sflag:s9] =	ssyncset.done @!p3 $0x0  }
0xa4: {  	s1 =	simm.s32 @!p3 $0x80;
	s5 =	simm.s32 @!p2 $0x5;
	[sflag:s9] =	ssyncadd.s32 @!p3 $0xFFFFFF80  }
0xa5: {  	[spmem:s2] =	stream.indirect.scatter.add.f32 @!p3 [tilespmem:s6], [sflag:$0x6], $0x80, s7, s1, $0xb8;
	[tilespmem:$0x1FA00] =	vst v63  }
0xa6: {  	s30 =	sadd.s32 $0x4, s30;
	_ =	swait.ge @!p2 [sflag:s5], $0x4000  }
0xa7: {  	p1 =	sge.u32 s30, s4;
	[sflag:s5] =	ssyncset.done @!p2 $0x0  }
0xa8: {  	s1 =	simm.s32 @!p1 $0x0;
	s6 =	simm.s32 @!p1 $0x17880;
	[sflag:s5] =	ssyncadd.s32 @!p2 $0xFFFFC000  }
0xa9: {  	[tilespmem:s6], [sflag:$0x2] =	stream.linear.gather @!p1 [hbm4b:s0+s1], $0x4000, $0x38;
	[tilespmem:$0x1FA00] =	vst v63  }
0xaa: {  	s0 =	simm.s32 @!p1 $0x1F900  }
0xab: {  	[tilespmem:s0], [sflag:$0x2] =	stream.linear.gather @!p1 [hbm4b:s31+s1], $0x80, $0x38;
	[tilespmem:$0x1FA00] =	vst v63  }
0xac: {  	[bflag:$0x0] =	sbarrier.arrive $0xFFFF  }
0xad: {  	[hbm:s14], [sflag:s11] =	dma.local [spmem:s28], $0x2700  }
0xae: {  	s26 =	sadd.s32 $0x1, s26;
	_ =	swait.ge [sflag:s25], $0x2700  }
0xaf: {  	p1 =	sne.s32 s26, s16;
	[sflag:s25] =	ssyncset.done $0x0  }
.Ltmp1:
0xb0: {  	s0 =	simm.s32 @!p0 $0x7;
	[sflag:s25] =	ssyncadd.s32 $0xFFFFD900;
	(pc) =	sbr.rel @p1 .LBB2_1-.Ltmp1, $4  }
0xb1: {  	[hbm:s15], [sflag:s11] =	dma.local @!p0 [spmem:s29], $0x100  }
0xb2: {  	_ =	swait.ge @!p0 [sflag:s0], $0x100  }
0xb3: {  	[sflag:s0] =	ssyncset.done @!p0 $0x0  }
0xb4: {  	[sflag:s0] =	ssyncadd.s32 @!p0 $0xFFFFFF00  }
0xb5: {  	_ =	sfence.sel $0x180000  }
0xb6: {  	[bflag:$0x0] =	sbarrier.arrive $0xFFFF  }
0xb7: {  	_ =	strace $0x90000047  }
0xb8: {  	s0 =	stileid.u32;
	[bflag:$0x2] =	sbarrier.arrive $0xFFFF  }
0xb9: {  	p0 =	sne.s32 s0, $0x0;
	s0 =	rddreg [dreg:$0x4]  }
0xba: {  	s0 =	sadd.s32 @!p0 $0x100000, s0  }
0xbb: {  	[sflag:s0] =	ssyncadd.tile.s32 @!p0 $0x1;
	_ =	shalt  }
.Lfunc_end2:
_tile_overlayer_lowered:
.L_overlay_start_2:
0xbc: {  	(tag) =	ssettag $0x2  }
0xbd: {  	s0 =	rddreg [dreg:$0x0];
	s2 =	stileid.u32  }
0xbe: {  	s1 =	rddreg [dreg:$0x1];
	p0 =	sne.s32 s2, $0x0  }
0xbf: {  	s3 =	rddreg [dreg:$0x2];
	[bflag:$0x3] =	sbarrier.arrive $0xFFFF;
	s2 =	simm.s32 @!p0 $0x1C07  }
0xc0: {  	[timem:s3], [sflag:s2] =	dma.local @!p0 [hbm:s0], s1  }
0xc1: {  	s0 =	simm.s32 @!p0 $0x7  }
0xc2: {  	_ =	swait.ge @!p0 [sflag:s0], s1  }
0xc3: {  	s1 =	ssub.s32 @!p0 $0x0, s1;
	[sflag:s0] =	ssyncset.done @!p0 $0x0  }
0xc4: {  	[sflag:s0] =	ssyncadd.s32 @!p0 s1  }
0xc5: {  	[bflag:$0x3] =	sbarrier.arrive $0xFFFF  }
0xc6: {  	_ =	shalt  }

</sc_bundles>
